<compile_context>
chip_gen: v7x
topology: tpu7x:2x2x1
jax: 0.10.2.dev20260603
libtpu: 0.0.44.dev20260713+nightly
codegen_flags: <defaults>
</compile_context>

<pallas_src>
import functools

import jax
import jax.numpy as jnp
from jax import lax
from jax.experimental import pallas as pl
from jax.experimental.pallas import tpu as pltpu
from jax.experimental.pallas import tpu_sc as plsc

N_NODES = 10000
N_EDGES = 320000
D = 128

NC = 2
NS = 16
NW = NC * NS
EPW = N_EDGES // NW

CH = 80
N_CHUNKS = EPW // CH

CH_DEG = 200
N_CHUNKS_DEG = EPW // CH_DEG


def _drain(dummy_hbm_slice, dst_ref, sem):
    pltpu.make_async_copy(dummy_hbm_slice, dst_ref, sem).wait()

ROWS_PER_TILE = 624
TAIL_ROWS = N_NODES - NS * ROWS_PER_TILE
TAIL_OFF = NS * ROWS_PER_TILE

_mesh = plsc.VectorSubcoreMesh(core_axis_name="c", subcore_axis_name="s")


@functools.partial(
    pl.kernel,
    mesh=_mesh,
    out_type=jax.ShapeDtypeStruct((NC, N_NODES, 16), jnp.float32),
    scratch_types=[
        pltpu.VMEM((CH_DEG, 16), jnp.float32),
        pltpu.VMEM((EPW,), jnp.int32),
        pltpu.VMEM_SHARED((N_NODES, 16), jnp.float32),
        pltpu.SemaphoreType.DMA,
        pltpu.SemaphoreType.DMA,
    ],
)
def _deg_kernel(dst_hbm, ones_hbm, out_hbm, ones_v, idx_v, acc_sh, isem,
                ssem):
    cid = lax.axis_index("c")
    sid = lax.axis_index("s")
    wid = sid * NC + cid

    pltpu.async_copy(dst_hbm.at[pl.ds(wid * EPW, EPW)], idx_v, isem)

    r0 = sid * ROWS_PER_TILE
    pltpu.sync_copy(ones_hbm.at[pl.ds(r0, ROWS_PER_TILE)],
                    acc_sh.at[pl.ds(r0, ROWS_PER_TILE)])

    @pl.when(sid == 0)
    def _():
        pltpu.sync_copy(ones_hbm.at[pl.ds(TAIL_OFF, TAIL_ROWS)],
                        acc_sh.at[pl.ds(TAIL_OFF, TAIL_ROWS)])

    pltpu.sync_copy(ones_hbm.at[pl.ds(0, CH_DEG)], ones_v)
    _drain(dst_hbm.at[pl.ds(0, EPW)], idx_v, isem)
    plsc.subcore_barrier()

    @pl.loop(0, N_CHUNKS_DEG)
    def _(i):
        pltpu.sync_copy(ones_v,
                        acc_sh.at[idx_v.at[pl.ds(i * CH_DEG, CH_DEG)]],
                        add=True)

    plsc.subcore_barrier()

    pltpu.sync_copy(acc_sh.at[pl.ds(r0, ROWS_PER_TILE)],
                    out_hbm.at[cid, pl.ds(r0, ROWS_PER_TILE)])

    @pl.when(sid == 0)
    def _():
        pltpu.sync_copy(acc_sh.at[pl.ds(TAIL_OFF, TAIL_ROWS)],
                        out_hbm.at[cid, pl.ds(TAIL_OFF, TAIL_ROWS)])


@functools.partial(
    pl.kernel,
    mesh=_mesh,
    out_type=jax.ShapeDtypeStruct((NC, N_NODES, D), jnp.float32),
    scratch_types=[
        pltpu.VMEM((EPW,), jnp.int32),
        pltpu.VMEM((EPW,), jnp.int32),
        pltpu.VMEM((CH, D), jnp.float32),
        pltpu.VMEM((CH, D), jnp.float32),
        pltpu.VMEM((CH, D), jnp.float32),
        pltpu.VMEM_SHARED((N_NODES, D), jnp.float32),
        pltpu.SemaphoreType.DMA,
        pltpu.SemaphoreType.DMA,
        pltpu.SemaphoreType.DMA,
        pltpu.SemaphoreType.DMA,
        pltpu.SemaphoreType.DMA,
        pltpu.SemaphoreType.DMA,
        pltpu.SemaphoreType.DMA,
    ],
)
def _segsum_kernel(y_hbm, src_hbm, dst_hbm, out_hbm,
                   src_v, dst_v, rows_a, rows_b, rows_c, acc_sh,
                   isem, gsem_a, gsem_b, gsem_c, ssem_a, ssem_b, ssem_c):
    cid = lax.axis_index("c")
    sid = lax.axis_index("s")
    wid = sid * NC + cid
    base = wid * EPW

    pltpu.async_copy(src_hbm.at[pl.ds(base, EPW)], src_v, isem)
    pltpu.async_copy(dst_hbm.at[pl.ds(base, EPW)], dst_v, isem)

    r0 = sid * ROWS_PER_TILE
    pltpu.sync_copy(y_hbm.at[pl.ds(r0, ROWS_PER_TILE)],
                    acc_sh.at[pl.ds(r0, ROWS_PER_TILE)])

    @pl.when(sid == 0)
    def _():
        pltpu.sync_copy(y_hbm.at[pl.ds(TAIL_OFF, TAIL_ROWS)],
                        acc_sh.at[pl.ds(TAIL_OFF, TAIL_ROWS)])

    _drain(src_hbm.at[pl.ds(0, EPW)], src_v, isem)
    _drain(dst_hbm.at[pl.ds(0, EPW)], dst_v, isem)
    plsc.subcore_barrier()

    rows = (rows_a, rows_b, rows_c)
    gsem = (gsem_a, gsem_b, gsem_c)
    ssem = (ssem_a, ssem_b, ssem_c)

    def issue_gather(j, b):
        pltpu.async_copy(y_hbm.at[src_v.at[pl.ds(j * CH, CH)]], rows[b],
                         gsem[b])

    issue_gather(0, 0)
    issue_gather(1, 1)

    @pl.loop(0, N_CHUNKS)
    def _(i):
        for b in range(3):
            @pl.when(lax.rem(i, 3) == b)
            def _():
                bp = (b + 2) % 3

                _drain(y_hbm.at[pl.ds(0, CH)], rows[b], gsem[b])

                @pl.when(i >= 1)
                def _():
                    _drain(y_hbm.at[pl.ds(0, CH)], rows[bp], ssem[bp])

                @pl.when(i + 2 < N_CHUNKS)
                def _():
                    issue_gather(i + 2, bp)

                pltpu.async_copy(rows[b],
                                 acc_sh.at[dst_v.at[pl.ds(i * CH, CH)]],
                                 ssem[b], add=True)

    _drain(y_hbm.at[pl.ds(0, CH)], rows[(N_CHUNKS - 1) % 3],
           ssem[(N_CHUNKS - 1) % 3])
    plsc.subcore_barrier()

    pltpu.sync_copy(acc_sh.at[pl.ds(r0, ROWS_PER_TILE)],
                    out_hbm.at[cid, pl.ds(r0, ROWS_PER_TILE)])

    @pl.when(sid == 0)
    def _():
        pltpu.sync_copy(acc_sh.at[pl.ds(TAIL_OFF, TAIL_ROWS)],
                        out_hbm.at[cid, pl.ds(TAIL_OFF, TAIL_ROWS)])



R = 2000


def _mm_scale_body(c_ref, x_ref, w_ref, dis_ref, y_ref):
    xw = lax.dot_general(x_ref[...], w_ref[...],
                         (((1,), (0,)), ((), ())),
                         preferred_element_type=jnp.float32,
                         precision=lax.Precision.HIGHEST)
    deg = c_ref[0, :, 0:1] + c_ref[1, :, 0:1] - 1.0
    dis = lax.rsqrt(deg)
    dis_ref[...] = dis
    y_ref[...] = xw * dis


def _mm_scale(counts, x, w):
    grid = (N_NODES // R,)
    return pl.pallas_call(
        _mm_scale_body,
        grid=grid,
        in_specs=[
            pl.BlockSpec((NC, R, 16), lambda i: (0, i, 0)),
            pl.BlockSpec((R, D), lambda i: (i, 0)),
            pl.BlockSpec((D, D), lambda i: (0, 0)),
        ],
        out_specs=[
            pl.BlockSpec((R, 1), lambda i: (i, 0)),
            pl.BlockSpec((R, D), lambda i: (i, 0)),
        ],
        out_shape=[
            jax.ShapeDtypeStruct((N_NODES, 1), jnp.float32),
            jax.ShapeDtypeStruct((N_NODES, D), jnp.float32),
        ],
    )(counts, x, w)


def _mid_body(s_ref, y1_ref, dis_ref, b_ref, w_ref, y2_ref):
    dis = dis_ref[...]
    comb = dis * (s_ref[0] + s_ref[1] - y1_ref[...]) + b_ref[...]
    h = jnp.maximum(comb, 0.0)
    hw = lax.dot_general(h, w_ref[...], (((1,), (0,)), ((), ())),
                         preferred_element_type=jnp.float32,
                         precision=lax.Precision.HIGHEST)
    y2_ref[...] = hw * dis


def _mid(s, y1, dis, b, w):
    grid = (N_NODES // R,)
    return pl.pallas_call(
        _mid_body,
        grid=grid,
        in_specs=[
            pl.BlockSpec((NC, R, D), lambda i: (0, i, 0)),
            pl.BlockSpec((R, D), lambda i: (i, 0)),
            pl.BlockSpec((R, 1), lambda i: (i, 0)),
            pl.BlockSpec((D,), lambda i: (0,)),
            pl.BlockSpec((D, D), lambda i: (0, 0)),
        ],
        out_specs=pl.BlockSpec((R, D), lambda i: (i, 0)),
        out_shape=jax.ShapeDtypeStruct((N_NODES, D), jnp.float32),
    )(s, y1, dis, b, w)


def _post_body(s_ref, y2_ref, dis_ref, b_ref, out_ref):
    dis = dis_ref[...]
    out_ref[...] = dis * (s_ref[0] + s_ref[1] - y2_ref[...]) + b_ref[...]


def _post(s, y2, dis, b):
    grid = (N_NODES // R,)
    return pl.pallas_call(
        _post_body,
        grid=grid,
        in_specs=[
            pl.BlockSpec((NC, R, D), lambda i: (0, i, 0)),
            pl.BlockSpec((R, D), lambda i: (i, 0)),
            pl.BlockSpec((R, 1), lambda i: (i, 0)),
            pl.BlockSpec((D,), lambda i: (0,)),
        ],
        out_specs=pl.BlockSpec((R, D), lambda i: (i, 0)),
        out_shape=jax.ShapeDtypeStruct((N_NODES, D), jnp.float32),
    )(s, y2, dis, b)


@jax.jit
def _run(x, ei, W1, b1, W2, b2):
    src = ei[0].astype(jnp.int32)
    dst = ei[1].astype(jnp.int32)
    ones = jnp.ones((N_NODES, 16), jnp.float32)

    counts = _deg_kernel(dst, ones)
    dis, y1 = _mm_scale(counts, x, W1)
    s1 = _segsum_kernel(y1, src, dst)
    y2 = _mid(s1, y1, dis, b1, W2)
    s2 = _segsum_kernel(y2, src, dst)
    out = _post(s2, y2, dis, b2)
    return out


def kernel(x, ei, W1, b1, W2, b2):
    return _run(x, ei, W1, b1, W2, b2)

# --- scband reference (transcript-rebuilt; emitter-appended) ---
"""Pipeline reference for scband-gcn2-l-89807766159535 (READ-ONLY COPY).

The authoritative reference and input builder live on the scoring server;
editing this copy changes nothing except your own understanding.
"""

import jax, jax.numpy as jnp
import numpy as np

N_NODES = 10000
N_EDGES = 320000
IN_CH = 128
HIDDEN = 128
OUT_CH = 128


def gcn_conv(x, src, dst, W, b, n_nodes):
    # PyG GCNConv: linear transform, add self-loops, symmetric normalization, scatter-add
    xw = x @ W
    loop = jnp.arange(n_nodes, dtype=src.dtype)
    src_l = jnp.concatenate([src, loop])
    dst_l = jnp.concatenate([dst, loop])
    ones = jnp.ones(src_l.shape[0], dtype=x.dtype)
    deg = jax.ops.segment_sum(ones, dst_l, num_segments=n_nodes)
    deg_inv_sqrt = jnp.where(deg > 0, jax.lax.rsqrt(deg), 0.0)
    norm = deg_inv_sqrt[src_l] * deg_inv_sqrt[dst_l]
    msgs = xw[src_l] * norm[:, None]
    out = jax.ops.segment_sum(msgs, dst_l, num_segments=n_nodes)
    return out + b


def setup_inputs(seed: int = 0) -> dict:
    key = jax.random.key(seed)
    k1, k2, k3, k4, k5, k6 = jax.random.split(key, 6)
    x = jax.random.normal(k1, (N_NODES, IN_CH), dtype=jnp.float32)
    ei = jax.random.randint(k2, (2, N_EDGES), 0, N_NODES, dtype=jnp.int64 if jax.config.jax_enable_x64 else jnp.int32)
    W1 = jax.random.normal(k3, (IN_CH, HIDDEN), dtype=jnp.float32) * (1.0 / np.sqrt(IN_CH))
    b1 = jnp.zeros((HIDDEN,), dtype=jnp.float32)
    W2 = jax.random.normal(k4, (HIDDEN, OUT_CH), dtype=jnp.float32) * (1.0 / np.sqrt(HIDDEN))
    b2 = jnp.zeros((OUT_CH,), dtype=jnp.float32)
    return {"x": x, "ei": ei, "W1": W1, "b1": b1, "W2": W2, "b2": b2}


def reference(x, ei, W1, b1, W2, b2):
    src, dst = ei[0], ei[1]
    h = gcn_conv(x, src, dst, W1, b1, N_NODES)
    h = jax.nn.relu(h)
    # dropout p=0.5 is identity in eval mode
    out = gcn_conv(h, src, dst, W2, b2, N_NODES)
    return out

if __name__ == "__main__":
    import jax
    _d = setup_inputs()
    print(jax.jit(kernel)(*tuple(_d.values())))

</pallas_src>

<mosaic_0001>
#map = affine_map<(d0, d1) -> (0, 0)>
#map1 = affine_map<(d0, d1) -> (0)>
#map2 = affine_map<(d0, d1) -> (0, 0, 0)>
module attributes {stable_mosaic.version = 14 : i64} {
  func.func @_segsum_kernel(%arg0: i32, %arg1: i32, %arg2: memref<10000x128xf32, #tpu.memory_space<hbm>>, %arg3: memref<320000xi32, #tpu.memory_space<hbm>>, %arg4: memref<320000xi32, #tpu.memory_space<hbm>>, %arg5: memref<2x10000x128xf32, #tpu.memory_space<hbm>>, %arg6: memref<10000xi32, #tpu.memory_space<vmem>>, %arg7: memref<10000xi32, #tpu.memory_space<vmem>>, %arg8: memref<80x128xf32, #tpu.memory_space<vmem>>, %arg9: memref<80x128xf32, #tpu.memory_space<vmem>>, %arg10: memref<80x128xf32, #tpu.memory_space<vmem>>, %arg11: memref<10000x128xf32, #tpu.memory_space<vmem_shared>>, %arg12: memref<!tpu.dma_semaphore, #tpu.memory_space<semaphore_mem>>, %arg13: memref<!tpu.dma_semaphore, #tpu.memory_space<semaphore_mem>>, %arg14: memref<!tpu.dma_semaphore, #tpu.memory_space<semaphore_mem>>, %arg15: memref<!tpu.dma_semaphore, #tpu.memory_space<semaphore_mem>>, %arg16: memref<!tpu.dma_semaphore, #tpu.memory_space<semaphore_mem>>, %arg17: memref<!tpu.dma_semaphore, #tpu.memory_space<semaphore_mem>>, %arg18: memref<!tpu.dma_semaphore, #tpu.memory_space<semaphore_mem>>) attributes {dimension_semantics = [#tpu.dimension_semantics<core_parallel>, #tpu.dimension_semantics<subcore_parallel>], iteration_bounds = array<i64: 2, 16>, scalar_prefetch = 0 : i64, scratch_operands = 13 : i64, tpu.core_type = #tpu.core_type<sc_vector_subcore>, window_params = [{transform_indices = #map}, {transform_indices = #map1}, {transform_indices = #map1}, {transform_indices = #map2}]} {
    %mul3A = arith.constant 2 : i32
    %mul3A_0 = arith.muli %arg1, %mul3A : i32
    %add3A = arith.addi %mul3A_0, %arg0 : i32
    %mul3A_1 = arith.constant 10000 : i32
    %mul3A_2 = arith.muli %add3A, %mul3A_1 : i32
    %dma_start3A = tpu.memref_slice %arg3[%mul3A_2] : memref<320000xi32, #tpu.memory_space<hbm>> -> memref<10000xi32, #tpu.memory_space<hbm>>
    %dma_start3A_3 = tpu.memref_slice %arg3[%mul3A_2] : memref<320000xi32, #tpu.memory_space<hbm>> -> memref<10000xi32, #tpu.memory_space<hbm>>
    tpu.enqueue_dma source(%dma_start3A_3 : memref<10000xi32, #tpu.memory_space<hbm>>) target(%arg6 : memref<10000xi32, #tpu.memory_space<vmem>>) target_semaphore(%arg12 : memref<!tpu.dma_semaphore, #tpu.memory_space<semaphore_mem>>)
    %dma_start3A_4 = tpu.memref_slice %arg4[%mul3A_2] : memref<320000xi32, #tpu.memory_space<hbm>> -> memref<10000xi32, #tpu.memory_space<hbm>>
    %dma_start3A_5 = tpu.memref_slice %arg4[%mul3A_2] : memref<320000xi32, #tpu.memory_space<hbm>> -> memref<10000xi32, #tpu.memory_space<hbm>>
    tpu.enqueue_dma source(%dma_start3A_5 : memref<10000xi32, #tpu.memory_space<hbm>>) target(%arg7 : memref<10000xi32, #tpu.memory_space<vmem>>) target_semaphore(%arg12 : memref<!tpu.dma_semaphore, #tpu.memory_space<semaphore_mem>>)
    %mul3A_6 = arith.constant 624 : i32
    %mul3A_7 = arith.muli %arg1, %mul3A_6 : i32
    "tpu.region"() ({
      %run_scoped3A = tpu.sem_alloc : memref<!tpu.dma_semaphore, #tpu.memory_space<semaphore_mem>>
      %dma_start3A_43 = arith.constant 0 : i32
      %dma_start3A_44 = tpu.memref_slice %arg11[%mul3A_7, %dma_start3A_43] : memref<10000x128xf32, #tpu.memory_space<vmem_shared>> -> memref<624x128xf32, #tpu.memory_space<vmem_shared>>
      %dma_start3A_45 = arith.constant 0 : i32
      %dma_start3A_46 = tpu.memref_slice %arg2[%mul3A_7, %dma_start3A_45] : memref<10000x128xf32, #tpu.memory_space<hbm>> -> memref<624x128xf32, #tpu.memory_space<hbm>>
      tpu.enqueue_dma source(%dma_start3A_46 : memref<624x128xf32, #tpu.memory_space<hbm>>) target(%dma_start3A_44 : memref<624x128xf32, #tpu.memory_space<vmem_shared>>) target_semaphore(%run_scoped3A : memref<!tpu.dma_semaphore, #tpu.memory_space<semaphore_mem>>)
      %dma_wait3A_47 = arith.constant 0 : i32
      %dma_wait3A_48 = tpu.memref_slice %arg11[%mul3A_7, %dma_wait3A_47] : memref<10000x128xf32, #tpu.memory_space<vmem_shared>> -> memref<624x128xf32, #tpu.memory_space<vmem_shared>>
      %dma_wait3A_49 = arith.constant 0 : i32
      %dma_wait3A_50 = tpu.memref_slice %arg2[%mul3A_7, %dma_wait3A_49] : memref<10000x128xf32, #tpu.memory_space<hbm>> -> memref<624x128xf32, #tpu.memory_space<hbm>>
      tpu.wait_dma2 semaphore(%run_scoped3A : memref<!tpu.dma_semaphore, #tpu.memory_space<semaphore_mem>>) src(%dma_wait3A_50 : memref<624x128xf32, #tpu.memory_space<hbm>>) dst(%dma_wait3A_48 : memref<624x128xf32, #tpu.memory_space<vmem_shared>>)
      tpu.yield
    }) : () -> ()
    %eq3A = arith.constant 0 : i32
    %eq3A_8 = arith.cmpi eq, %arg1, %eq3A : i32
    %convert_element_type3A = arith.extui %eq3A_8 : i1 to i32
    %cond3A = arith.constant 0 : i32
    %cond3A_9 = arith.cmpi ne, %convert_element_type3A, %cond3A : i32
    scf.if %cond3A_9 {
      "tpu.region"() ({
        %run_scoped3A = tpu.sem_alloc : memref<!tpu.dma_semaphore, #tpu.memory_space<semaphore_mem>>
        %dma_start3A_43 = arith.constant 9984 : i32
        %dma_start3A_44 = arith.constant 0 : i32
        %dma_start3A_45 = tpu.memref_slice %arg11[%dma_start3A_43, %dma_start3A_44] : memref<10000x128xf32, #tpu.memory_space<vmem_shared>> -> memref<16x128xf32, #tpu.memory_space<vmem_shared>>
        %dma_start3A_46 = arith.constant 9984 : i32
        %dma_start3A_47 = arith.constant 0 : i32
        %dma_start3A_48 = tpu.memref_slice %arg2[%dma_start3A_46, %dma_start3A_47] : memref<10000x128xf32, #tpu.memory_space<hbm>> -> memref<16x128xf32, #tpu.memory_space<hbm>>
        tpu.enqueue_dma source(%dma_start3A_48 : memref<16x128xf32, #tpu.memory_space<hbm>>) target(%dma_start3A_45 : memref<16x128xf32, #tpu.memory_space<vmem_shared>>) target_semaphore(%run_scoped3A : memref<!tpu.dma_semaphore, #tpu.memory_space<semaphore_mem>>)
        %dma_wait3A_49 = arith.constant 9984 : i32
        %dma_wait3A_50 = arith.constant 0 : i32
        %dma_wait3A_51 = tpu.memref_slice %arg11[%dma_wait3A_49, %dma_wait3A_50] : memref<10000x128xf32, #tpu.memory_space<vmem_shared>> -> memref<16x128xf32, #tpu.memory_space<vmem_shared>>
        %dma_wait3A_52 = arith.constant 9984 : i32
        %dma_wait3A_53 = arith.constant 0 : i32
        %dma_wait3A_54 = tpu.memref_slice %arg2[%dma_wait3A_52, %dma_wait3A_53] : memref<10000x128xf32, #tpu.memory_space<hbm>> -> memref<16x128xf32, #tpu.memory_space<hbm>>
        tpu.wait_dma2 semaphore(%run_scoped3A : memref<!tpu.dma_semaphore, #tpu.memory_space<semaphore_mem>>) src(%dma_wait3A_54 : memref<16x128xf32, #tpu.memory_space<hbm>>) dst(%dma_wait3A_51 : memref<16x128xf32, #tpu.memory_space<vmem_shared>>)
        tpu.yield
      }) : () -> ()
    } else {
    }
    %dma_wait3A = arith.constant 0 : i32
    %dma_wait3A_10 = tpu.memref_slice %arg3[%dma_wait3A] : memref<320000xi32, #tpu.memory_space<hbm>> -> memref<10000xi32, #tpu.memory_space<hbm>>
    %dma_wait3A_11 = arith.constant 0 : i32
    %dma_wait3A_12 = tpu.memref_slice %arg3[%dma_wait3A_11] : memref<320000xi32, #tpu.memory_space<hbm>> -> memref<10000xi32, #tpu.memory_space<hbm>>
    tpu.wait_dma2 semaphore(%arg12 : memref<!tpu.dma_semaphore, #tpu.memory_space<semaphore_mem>>) src(%dma_wait3A_12 : memref<10000xi32, #tpu.memory_space<hbm>>) dst(%arg6 : memref<10000xi32, #tpu.memory_space<vmem>>)
    %dma_wait3A_13 = arith.constant 0 : i32
    %dma_wait3A_14 = tpu.memref_slice %arg4[%dma_wait3A_13] : memref<320000xi32, #tpu.memory_space<hbm>> -> memref<10000xi32, #tpu.memory_space<hbm>>
    %dma_wait3A_15 = arith.constant 0 : i32
    %dma_wait3A_16 = tpu.memref_slice %arg4[%dma_wait3A_15] : memref<320000xi32, #tpu.memory_space<hbm>> -> memref<10000xi32, #tpu.memory_space<hbm>>
    tpu.wait_dma2 semaphore(%arg12 : memref<!tpu.dma_semaphore, #tpu.memory_space<semaphore_mem>>) src(%dma_wait3A_16 : memref<10000xi32, #tpu.memory_space<hbm>>) dst(%arg7 : memref<10000xi32, #tpu.memory_space<vmem>>)
    %barrier3A = arith.constant 0 : index
    tpu.barrier barrier_id(%barrier3A)
    %dma_start3A_17 = arith.constant 0 : i32
    %dma_start3A_18 = tpu.memref_slice %arg6[%dma_start3A_17] : memref<10000xi32, #tpu.memory_space<vmem>> -> memref<80xi32, #tpu.memory_space<vmem>>
    %dma_start3A_19 = arith.constant 0 : i32
    %dma_start3A_20 = arith.constant 0 : i32
    %dma_start3A_21 = tpu.memref_slice %arg2[%dma_start3A_19, %dma_start3A_20] : memref<10000x128xf32, #tpu.memory_space<hbm>> -> memref<10000x128xf32, #tpu.memory_space<hbm>>
    tpu.enqueue_indirect_dma source(%dma_start3A_21 : memref<10000x128xf32, #tpu.memory_space<hbm>>) target(%arg8 : memref<80x128xf32, #tpu.memory_space<vmem>>) offsets(%dma_start3A_18 : memref<80xi32, #tpu.memory_space<vmem>>) semaphore(%arg13 : memref<!tpu.dma_semaphore, #tpu.memory_space<semaphore_mem>>)
    %dma_start3A_22 = arith.constant 80 : i32
    %dma_start3A_23 = tpu.memref_slice %arg6[%dma_start3A_22] : memref<10000xi32, #tpu.memory_space<vmem>> -> memref<80xi32, #tpu.memory_space<vmem>>
    %dma_start3A_24 = arith.constant 0 : i32
    %dma_start3A_25 = arith.constant 0 : i32
    %dma_start3A_26 = tpu.memref_slice %arg2[%dma_start3A_24, %dma_start3A_25] : memref<10000x128xf32, #tpu.memory_space<hbm>> -> memref<10000x128xf32, #tpu.memory_space<hbm>>
    tpu.enqueue_indirect_dma source(%dma_start3A_26 : memref<10000x128xf32, #tpu.memory_space<hbm>>) target(%arg9 : memref<80x128xf32, #tpu.memory_space<vmem>>) offsets(%dma_start3A_23 : memref<80xi32, #tpu.memory_space<vmem>>) semaphore(%arg14 : memref<!tpu.dma_semaphore, #tpu.memory_space<semaphore_mem>>)
    %scan3A = arith.constant 0 : i32
    %scan3A_27 = arith.constant 125 : i32
    %scan3A_28 = arith.addi %scan3A, %scan3A_27 : i32
    %scan3A_29 = arith.constant 1 : i32
    scf.for %scan3A_43 = %scan3A to %scan3A_28 step %scan3A_29  : i32 {
      %mul3A_44 = arith.constant 1 : i32
      %mul3A_45 = arith.muli %scan3A_43, %mul3A_44 : i32
      %add3A_46 = arith.constant 0 : i32
      %add3A_47 = arith.addi %add3A_46, %mul3A_45 : i32
      %rem3A = arith.constant 3 : i32
      %rem3A_48 = arith.remsi %add3A_47, %rem3A : i32
      %eq3A_49 = arith.constant 0 : i32
      %eq3A_50 = arith.cmpi eq, %rem3A_48, %eq3A_49 : i32
      %convert_element_type3A_51 = arith.extui %eq3A_50 : i1 to i32
      %cond3A_52 = arith.constant 0 : i32
      %cond3A_53 = arith.cmpi ne, %convert_element_type3A_51, %cond3A_52 : i32
      scf.if %cond3A_53 {
        %dma_wait3A_68 = arith.constant 0 : i32
        %dma_wait3A_69 = arith.constant 0 : i32
        %dma_wait3A_70 = tpu.memref_slice %arg2[%dma_wait3A_68, %dma_wait3A_69] : memref<10000x128xf32, #tpu.memory_space<hbm>> -> memref<80x128xf32, #tpu.memory_space<hbm>>
        %dma_wait3A_71 = arith.constant 0 : i32
        %dma_wait3A_72 = arith.constant 0 : i32
        %dma_wait3A_73 = tpu.memref_slice %arg2[%dma_wait3A_71, %dma_wait3A_72] : memref<10000x128xf32, #tpu.memory_space<hbm>> -> memref<80x128xf32, #tpu.memory_space<hbm>>
        tpu.wait_dma2 semaphore(%arg13 : memref<!tpu.dma_semaphore, #tpu.memory_space<semaphore_mem>>) src(%dma_wait3A_73 : memref<80x128xf32, #tpu.memory_space<hbm>>) dst(%arg8 : memref<80x128xf32, #tpu.memory_space<vmem>>)
        %ge3A = arith.constant 1 : i32
        %ge3A_74 = arith.cmpi sge, %add3A_47, %ge3A : i32
        %convert_element_type3A_75 = arith.extui %ge3A_74 : i1 to i32
        %cond3A_76 = arith.constant 0 : i32
        %cond3A_77 = arith.cmpi ne, %convert_element_type3A_75, %cond3A_76 : i32
        scf.if %cond3A_77 {
          %dma_wait3A_90 = arith.constant 0 : i32
          %dma_wait3A_91 = arith.constant 0 : i32
          %dma_wait3A_92 = tpu.memref_slice %arg2[%dma_wait3A_90, %dma_wait3A_91] : memref<10000x128xf32, #tpu.memory_space<hbm>> -> memref<80x128xf32, #tpu.memory_space<hbm>>
          %dma_wait3A_93 = arith.constant 0 : i32
          %dma_wait3A_94 = arith.constant 0 : i32
          %dma_wait3A_95 = tpu.memref_slice %arg2[%dma_wait3A_93, %dma_wait3A_94] : memref<10000x128xf32, #tpu.memory_space<hbm>> -> memref<80x128xf32, #tpu.memory_space<hbm>>
          tpu.wait_dma2 semaphore(%arg18 : memref<!tpu.dma_semaphore, #tpu.memory_space<semaphore_mem>>) src(%dma_wait3A_95 : memref<80x128xf32, #tpu.memory_space<hbm>>) dst(%arg10 : memref<80x128xf32, #tpu.memory_space<vmem>>)
        } else {
        }
        %add3A_78 = arith.constant 2 : i32
        %add3A_79 = arith.addi %add3A_47, %add3A_78 : i32
        %lt3A = arith.constant 125 : i32
        %lt3A_80 = arith.cmpi slt, %add3A_79, %lt3A : i32
        %convert_element_type3A_81 = arith.extui %lt3A_80 : i1 to i32
        %cond3A_82 = arith.constant 0 : i32
        %cond3A_83 = arith.cmpi ne, %convert_element_type3A_81, %cond3A_82 : i32
        scf.if %cond3A_83 {
          %add3A_90 = arith.constant 2 : i32
          %add3A_91 = arith.addi %add3A_47, %add3A_90 : i32
          %mul3A_92 = arith.constant 80 : i32
          %mul3A_93 = arith.muli %add3A_91, %mul3A_92 : i32
          %dma_start3A_94 = tpu.memref_slice %arg6[%mul3A_93] : memref<10000xi32, #tpu.memory_space<vmem>> -> memref<80xi32, #tpu.memory_space<vmem>>
          %dma_start3A_95 = arith.constant 0 : i32
          %dma_start3A_96 = arith.constant 0 : i32
          %dma_start3A_97 = tpu.memref_slice %arg2[%dma_start3A_95, %dma_start3A_96] : memref<10000x128xf32, #tpu.memory_space<hbm>> -> memref<10000x128xf32, #tpu.memory_space<hbm>>
          tpu.enqueue_indirect_dma source(%dma_start3A_97 : memref<10000x128xf32, #tpu.memory_space<hbm>>) target(%arg10 : memref<80x128xf32, #tpu.memory_space<vmem>>) offsets(%dma_start3A_94 : memref<80xi32, #tpu.memory_space<vmem>>) semaphore(%arg15 : memref<!tpu.dma_semaphore, #tpu.memory_space<semaphore_mem>>)
        } else {
        }
        %mul3A_84 = arith.constant 80 : i32
        %mul3A_85 = arith.muli %add3A_47, %mul3A_84 : i32
        %dma_start3A_86 = tpu.memref_slice %arg7[%mul3A_85] : memref<10000xi32, #tpu.memory_space<vmem>> -> memref<80xi32, #tpu.memory_space<vmem>>
        %dma_start3A_87 = arith.constant 0 : i32
        %dma_start3A_88 = arith.constant 0 : i32
        %dma_start3A_89 = tpu.memref_slice %arg11[%dma_start3A_87, %dma_start3A_88] : memref<10000x128xf32, #tpu.memory_space<vmem_shared>> -> memref<10000x128xf32, #tpu.memory_space<vmem_shared>>
        tpu.enqueue_indirect_dma source(%arg8 : memref<80x128xf32, #tpu.memory_space<vmem>>) target(%dma_start3A_89 : memref<10000x128xf32, #tpu.memory_space<vmem_shared>>) offsets(%dma_start3A_86 : memref<80xi32, #tpu.memory_space<vmem>>) semaphore(%arg16 : memref<!tpu.dma_semaphore, #tpu.memory_space<semaphore_mem>>) {add = true}
      } else {
      }
      %rem3A_54 = arith.constant 3 : i32
      %rem3A_55 = arith.remsi %add3A_47, %rem3A_54 : i32
      %eq3A_56 = arith.constant 1 : i32
      %eq3A_57 = arith.cmpi eq, %rem3A_55, %eq3A_56 : i32
      %convert_element_type3A_58 = arith.extui %eq3A_57 : i1 to i32
      %cond3A_59 = arith.constant 0 : i32
      %cond3A_60 = arith.cmpi ne, %convert_element_type3A_58, %cond3A_59 : i32
      scf.if %cond3A_60 {
        %dma_wait3A_68 = arith.constant 0 : i32
        %dma_wait3A_69 = arith.constant 0 : i32
        %dma_wait3A_70 = tpu.memref_slice %arg2[%dma_wait3A_68, %dma_wait3A_69] : memref<10000x128xf32, #tpu.memory_space<hbm>> -> memref<80x128xf32, #tpu.memory_space<hbm>>
        %dma_wait3A_71 = arith.constant 0 : i32
        %dma_wait3A_72 = arith.constant 0 : i32
        %dma_wait3A_73 = tpu.memref_slice %arg2[%dma_wait3A_71, %dma_wait3A_72] : memref<10000x128xf32, #tpu.memory_space<hbm>> -> memref<80x128xf32, #tpu.memory_space<hbm>>
        tpu.wait_dma2 semaphore(%arg14 : memref<!tpu.dma_semaphore, #tpu.memory_space<semaphore_mem>>) src(%dma_wait3A_73 : memref<80x128xf32, #tpu.memory_space<hbm>>) dst(%arg9 : memref<80x128xf32, #tpu.memory_space<vmem>>)
        %ge3A = arith.constant 1 : i32
        %ge3A_74 = arith.cmpi sge, %add3A_47, %ge3A : i32
        %convert_element_type3A_75 = arith.extui %ge3A_74 : i1 to i32
        %cond3A_76 = arith.constant 0 : i32
        %cond3A_77 = arith.cmpi ne, %convert_element_type3A_75, %cond3A_76 : i32
        scf.if %cond3A_77 {
          %dma_wait3A_90 = arith.constant 0 : i32
          %dma_wait3A_91 = arith.constant 0 : i32
          %dma_wait3A_92 = tpu.memref_slice %arg2[%dma_wait3A_90, %dma_wait3A_91] : memref<10000x128xf32, #tpu.memory_space<hbm>> -> memref<80x128xf32, #tpu.memory_space<hbm>>
          %dma_wait3A_93 = arith.constant 0 : i32
          %dma_wait3A_94 = arith.constant 0 : i32
          %dma_wait3A_95 = tpu.memref_slice %arg2[%dma_wait3A_93, %dma_wait3A_94] : memref<10000x128xf32, #tpu.memory_space<hbm>> -> memref<80x128xf32, #tpu.memory_space<hbm>>
          tpu.wait_dma2 semaphore(%arg16 : memref<!tpu.dma_semaphore, #tpu.memory_space<semaphore_mem>>) src(%dma_wait3A_95 : memref<80x128xf32, #tpu.memory_space<hbm>>) dst(%arg8 : memref<80x128xf32, #tpu.memory_space<vmem>>)
        } else {
        }
        %add3A_78 = arith.constant 2 : i32
        %add3A_79 = arith.addi %add3A_47, %add3A_78 : i32
        %lt3A = arith.constant 125 : i32
        %lt3A_80 = arith.cmpi slt, %add3A_79, %lt3A : i32
        %convert_element_type3A_81 = arith.extui %lt3A_80 : i1 to i32
        %cond3A_82 = arith.constant 0 : i32
        %cond3A_83 = arith.cmpi ne, %convert_element_type3A_81, %cond3A_82 : i32
        scf.if %cond3A_83 {
          %add3A_90 = arith.constant 2 : i32
          %add3A_91 = arith.addi %add3A_47, %add3A_90 : i32
          %mul3A_92 = arith.constant 80 : i32
          %mul3A_93 = arith.muli %add3A_91, %mul3A_92 : i32
          %dma_start3A_94 = tpu.memref_slice %arg6[%mul3A_93] : memref<10000xi32, #tpu.memory_space<vmem>> -> memref<80xi32, #tpu.memory_space<vmem>>
          %dma_start3A_95 = arith.constant 0 : i32
          %dma_start3A_96 = arith.constant 0 : i32
          %dma_start3A_97 = tpu.memref_slice %arg2[%dma_start3A_95, %dma_start3A_96] : memref<10000x128xf32, #tpu.memory_space<hbm>> -> memref<10000x128xf32, #tpu.memory_space<hbm>>
          tpu.enqueue_indirect_dma source(%dma_start3A_97 : memref<10000x128xf32, #tpu.memory_space<hbm>>) target(%arg8 : memref<80x128xf32, #tpu.memory_space<vmem>>) offsets(%dma_start3A_94 : memref<80xi32, #tpu.memory_space<vmem>>) semaphore(%arg13 : memref<!tpu.dma_semaphore, #tpu.memory_space<semaphore_mem>>)
        } else {
        }
        %mul3A_84 = arith.constant 80 : i32
        %mul3A_85 = arith.muli %add3A_47, %mul3A_84 : i32
        %dma_start3A_86 = tpu.memref_slice %arg7[%mul3A_85] : memref<10000xi32, #tpu.memory_space<vmem>> -> memref<80xi32, #tpu.memory_space<vmem>>
        %dma_start3A_87 = arith.constant 0 : i32
        %dma_start3A_88 = arith.constant 0 : i32
        %dma_start3A_89 = tpu.memref_slice %arg11[%dma_start3A_87, %dma_start3A_88] : memref<10000x128xf32, #tpu.memory_space<vmem_shared>> -> memref<10000x128xf32, #tpu.memory_space<vmem_shared>>
        tpu.enqueue_indirect_dma source(%arg9 : memref<80x128xf32, #tpu.memory_space<vmem>>) target(%dma_start3A_89 : memref<10000x128xf32, #tpu.memory_space<vmem_shared>>) offsets(%dma_start3A_86 : memref<80xi32, #tpu.memory_space<vmem>>) semaphore(%arg17 : memref<!tpu.dma_semaphore, #tpu.memory_space<semaphore_mem>>) {add = true}
      } else {
      }
      %rem3A_61 = arith.constant 3 : i32
      %rem3A_62 = arith.remsi %add3A_47, %rem3A_61 : i32
      %eq3A_63 = arith.constant 2 : i32
      %eq3A_64 = arith.cmpi eq, %rem3A_62, %eq3A_63 : i32
      %convert_element_type3A_65 = arith.extui %eq3A_64 : i1 to i32
      %cond3A_66 = arith.constant 0 : i32
      %cond3A_67 = arith.cmpi ne, %convert_element_type3A_65, %cond3A_66 : i32
      scf.if %cond3A_67 {
        %dma_wait3A_68 = arith.constant 0 : i32
        %dma_wait3A_69 = arith.constant 0 : i32
        %dma_wait3A_70 = tpu.memref_slice %arg2[%dma_wait3A_68, %dma_wait3A_69] : memref<10000x128xf32, #tpu.memory_space<hbm>> -> memref<80x128xf32, #tpu.memory_space<hbm>>
        %dma_wait3A_71 = arith.constant 0 : i32
        %dma_wait3A_72 = arith.constant 0 : i32
        %dma_wait3A_73 = tpu.memref_slice %arg2[%dma_wait3A_71, %dma_wait3A_72] : memref<10000x128xf32, #tpu.memory_space<hbm>> -> memref<80x128xf32, #tpu.memory_space<hbm>>
        tpu.wait_dma2 semaphore(%arg15 : memref<!tpu.dma_semaphore, #tpu.memory_space<semaphore_mem>>) src(%dma_wait3A_73 : memref<80x128xf32, #tpu.memory_space<hbm>>) dst(%arg10 : memref<80x128xf32, #tpu.memory_space<vmem>>)
        %ge3A = arith.constant 1 : i32
        %ge3A_74 = arith.cmpi sge, %add3A_47, %ge3A : i32
        %convert_element_type3A_75 = arith.extui %ge3A_74 : i1 to i32
        %cond3A_76 = arith.constant 0 : i32
        %cond3A_77 = arith.cmpi ne, %convert_element_type3A_75, %cond3A_76 : i32
        scf.if %cond3A_77 {
          %dma_wait3A_90 = arith.constant 0 : i32
          %dma_wait3A_91 = arith.constant 0 : i32
          %dma_wait3A_92 = tpu.memref_slice %arg2[%dma_wait3A_90, %dma_wait3A_91] : memref<10000x128xf32, #tpu.memory_space<hbm>> -> memref<80x128xf32, #tpu.memory_space<hbm>>
          %dma_wait3A_93 = arith.constant 0 : i32
          %dma_wait3A_94 = arith.constant 0 : i32
          %dma_wait3A_95 = tpu.memref_slice %arg2[%dma_wait3A_93, %dma_wait3A_94] : memref<10000x128xf32, #tpu.memory_space<hbm>> -> memref<80x128xf32, #tpu.memory_space<hbm>>
          tpu.wait_dma2 semaphore(%arg17 : memref<!tpu.dma_semaphore, #tpu.memory_space<semaphore_mem>>) src(%dma_wait3A_95 : memref<80x128xf32, #tpu.memory_space<hbm>>) dst(%arg9 : memref<80x128xf32, #tpu.memory_space<vmem>>)
        } else {
        }
        %add3A_78 = arith.constant 2 : i32
        %add3A_79 = arith.addi %add3A_47, %add3A_78 : i32
        %lt3A = arith.constant 125 : i32
        %lt3A_80 = arith.cmpi slt, %add3A_79, %lt3A : i32
        %convert_element_type3A_81 = arith.extui %lt3A_80 : i1 to i32
        %cond3A_82 = arith.constant 0 : i32
        %cond3A_83 = arith.cmpi ne, %convert_element_type3A_81, %cond3A_82 : i32
        scf.if %cond3A_83 {
          %add3A_90 = arith.constant 2 : i32
          %add3A_91 = arith.addi %add3A_47, %add3A_90 : i32
          %mul3A_92 = arith.constant 80 : i32
          %mul3A_93 = arith.muli %add3A_91, %mul3A_92 : i32
          %dma_start3A_94 = tpu.memref_slice %arg6[%mul3A_93] : memref<10000xi32, #tpu.memory_space<vmem>> -> memref<80xi32, #tpu.memory_space<vmem>>
          %dma_start3A_95 = arith.constant 0 : i32
          %dma_start3A_96 = arith.constant 0 : i32
          %dma_start3A_97 = tpu.memref_slice %arg2[%dma_start3A_95, %dma_start3A_96] : memref<10000x128xf32, #tpu.memory_space<hbm>> -> memref<10000x128xf32, #tpu.memory_space<hbm>>
          tpu.enqueue_indirect_dma source(%dma_start3A_97 : memref<10000x128xf32, #tpu.memory_space<hbm>>) target(%arg9 : memref<80x128xf32, #tpu.memory_space<vmem>>) offsets(%dma_start3A_94 : memref<80xi32, #tpu.memory_space<vmem>>) semaphore(%arg14 : memref<!tpu.dma_semaphore, #tpu.memory_space<semaphore_mem>>)
        } else {
        }
        %mul3A_84 = arith.constant 80 : i32
        %mul3A_85 = arith.muli %add3A_47, %mul3A_84 : i32
        %dma_start3A_86 = tpu.memref_slice %arg7[%mul3A_85] : memref<10000xi32, #tpu.memory_space<vmem>> -> memref<80xi32, #tpu.memory_space<vmem>>
        %dma_start3A_87 = arith.constant 0 : i32
        %dma_start3A_88 = arith.constant 0 : i32
        %dma_start3A_89 = tpu.memref_slice %arg11[%dma_start3A_87, %dma_start3A_88] : memref<10000x128xf32, #tpu.memory_space<vmem_shared>> -> memref<10000x128xf32, #tpu.memory_space<vmem_shared>>
        tpu.enqueue_indirect_dma source(%arg10 : memref<80x128xf32, #tpu.memory_space<vmem>>) target(%dma_start3A_89 : memref<10000x128xf32, #tpu.memory_space<vmem_shared>>) offsets(%dma_start3A_86 : memref<80xi32, #tpu.memory_space<vmem>>) semaphore(%arg18 : memref<!tpu.dma_semaphore, #tpu.memory_space<semaphore_mem>>) {add = true}
      } else {
      }
    }
    %scan3A_30 = arith.constant 125 : i32
    %dma_wait3A_31 = arith.constant 0 : i32
    %dma_wait3A_32 = arith.constant 0 : i32
    %dma_wait3A_33 = tpu.memref_slice %arg2[%dma_wait3A_31, %dma_wait3A_32] : memref<10000x128xf32, #tpu.memory_space<hbm>> -> memref<80x128xf32, #tpu.memory_space<hbm>>
    %dma_wait3A_34 = arith.constant 0 : i32
    %dma_wait3A_35 = arith.constant 0 : i32
    %dma_wait3A_36 = tpu.memref_slice %arg2[%dma_wait3A_34, %dma_wait3A_35] : memref<10000x128xf32, #tpu.memory_space<hbm>> -> memref<80x128xf32, #tpu.memory_space<hbm>>
    tpu.wait_dma2 semaphore(%arg17 : memref<!tpu.dma_semaphore, #tpu.memory_space<semaphore_mem>>) src(%dma_wait3A_36 : memref<80x128xf32, #tpu.memory_space<hbm>>) dst(%arg9 : memref<80x128xf32, #tpu.memory_space<vmem>>)
    %barrier3A_37 = arith.constant 0 : index
    tpu.barrier barrier_id(%barrier3A_37)
    "tpu.region"() ({
      %run_scoped3A = tpu.sem_alloc : memref<!tpu.dma_semaphore, #tpu.memory_space<semaphore_mem>>
      %dma_start3A_43 = arith.constant 0 : i32
      %dma_start3A_44 = tpu.memref_slice %arg5[%arg0, %mul3A_7, %dma_start3A_43] : memref<2x10000x128xf32, #tpu.memory_space<hbm>> -> memref<1x624x128xf32, #tpu.memory_space<hbm>>
      %dma_start3A_45 = tpu.memref_squeeze %dma_start3A_44 : memref<1x624x128xf32, #tpu.memory_space<hbm>> -> memref<624x128xf32, #tpu.memory_space<hbm>>
      %dma_start3A_46 = arith.constant 0 : i32
      %dma_start3A_47 = tpu.memref_slice %arg11[%mul3A_7, %dma_start3A_46] : memref<10000x128xf32, #tpu.memory_space<vmem_shared>> -> memref<624x128xf32, #tpu.memory_space<vmem_shared>>
      tpu.enqueue_dma source(%dma_start3A_47 : memref<624x128xf32, #tpu.memory_space<vmem_shared>>) target(%dma_start3A_45 : memref<624x128xf32, #tpu.memory_space<hbm>>) target_semaphore(%run_scoped3A : memref<!tpu.dma_semaphore, #tpu.memory_space<semaphore_mem>>)
      %dma_wait3A_48 = arith.constant 0 : i32
      %dma_wait3A_49 = tpu.memref_slice %arg5[%arg0, %mul3A_7, %dma_wait3A_48] : memref<2x10000x128xf32, #tpu.memory_space<hbm>> -> memref<1x624x128xf32, #tpu.memory_space<hbm>>
      %dma_wait3A_50 = tpu.memref_squeeze %dma_wait3A_49 : memref<1x624x128xf32, #tpu.memory_space<hbm>> -> memref<624x128xf32, #tpu.memory_space<hbm>>
      %dma_wait3A_51 = arith.constant 0 : i32
      %dma_wait3A_52 = tpu.memref_slice %arg11[%mul3A_7, %dma_wait3A_51] : memref<10000x128xf32, #tpu.memory_space<vmem_shared>> -> memref<624x128xf32, #tpu.memory_space<vmem_shared>>
      tpu.wait_dma2 semaphore(%run_scoped3A : memref<!tpu.dma_semaphore, #tpu.memory_space<semaphore_mem>>) src(%dma_wait3A_52 : memref<624x128xf32, #tpu.memory_space<vmem_shared>>) dst(%dma_wait3A_50 : memref<624x128xf32, #tpu.memory_space<hbm>>)
      tpu.yield
    }) : () -> ()
    %eq3A_38 = arith.constant 0 : i32
    %eq3A_39 = arith.cmpi eq, %arg1, %eq3A_38 : i32
    %convert_element_type3A_40 = arith.extui %eq3A_39 : i1 to i32
    %cond3A_41 = arith.constant 0 : i32
    %cond3A_42 = arith.cmpi ne, %convert_element_type3A_40, %cond3A_41 : i32
    scf.if %cond3A_42 {
      "tpu.region"() ({
        %run_scoped3A = tpu.sem_alloc : memref<!tpu.dma_semaphore, #tpu.memory_space<semaphore_mem>>
        %dma_start3A_43 = arith.constant 9984 : i32
        %dma_start3A_44 = arith.constant 0 : i32
        %dma_start3A_45 = tpu.memref_slice %arg5[%arg0, %dma_start3A_43, %dma_start3A_44] : memref<2x10000x128xf32, #tpu.memory_space<hbm>> -> memref<1x16x128xf32, #tpu.memory_space<hbm>>
        %dma_start3A_46 = tpu.memref_squeeze %dma_start3A_45 : memref<1x16x128xf32, #tpu.memory_space<hbm>> -> memref<16x128xf32, #tpu.memory_space<hbm>>
        %dma_start3A_47 = arith.constant 9984 : i32
        %dma_start3A_48 = arith.constant 0 : i32
        %dma_start3A_49 = tpu.memref_slice %arg11[%dma_start3A_47, %dma_start3A_48] : memref<10000x128xf32, #tpu.memory_space<vmem_shared>> -> memref<16x128xf32, #tpu.memory_space<vmem_shared>>
        tpu.enqueue_dma source(%dma_start3A_49 : memref<16x128xf32, #tpu.memory_space<vmem_shared>>) target(%dma_start3A_46 : memref<16x128xf32, #tpu.memory_space<hbm>>) target_semaphore(%run_scoped3A : memref<!tpu.dma_semaphore, #tpu.memory_space<semaphore_mem>>)
        %dma_wait3A_50 = arith.constant 9984 : i32
        %dma_wait3A_51 = arith.constant 0 : i32
        %dma_wait3A_52 = tpu.memref_slice %arg5[%arg0, %dma_wait3A_50, %dma_wait3A_51] : memref<2x10000x128xf32, #tpu.memory_space<hbm>> -> memref<1x16x128xf32, #tpu.memory_space<hbm>>
        %dma_wait3A_53 = tpu.memref_squeeze %dma_wait3A_52 : memref<1x16x128xf32, #tpu.memory_space<hbm>> -> memref<16x128xf32, #tpu.memory_space<hbm>>
        %dma_wait3A_54 = arith.constant 9984 : i32
        %dma_wait3A_55 = arith.constant 0 : i32
        %dma_wait3A_56 = tpu.memref_slice %arg11[%dma_wait3A_54, %dma_wait3A_55] : memref<10000x128xf32, #tpu.memory_space<vmem_shared>> -> memref<16x128xf32, #tpu.memory_space<vmem_shared>>
        tpu.wait_dma2 semaphore(%run_scoped3A : memref<!tpu.dma_semaphore, #tpu.memory_space<semaphore_mem>>) src(%dma_wait3A_56 : memref<16x128xf32, #tpu.memory_space<vmem_shared>>) dst(%dma_wait3A_53 : memref<16x128xf32, #tpu.memory_space<hbm>>)
        tpu.yield
      }) : () -> ()
    } else {
    }
    return
  }
}

#map = affine_map<(d0, d1) -> (0, 0)>
#map1 = affine_map<(d0, d1) -> (0)>
#map2 = affine_map<(d0, d1) -> (0, 0, 0)>
module attributes {stable_mosaic.version = 14 : i64} {
  func.func @_segsum_kernel(%arg0: i32, %arg1: i32, %arg2: memref<10000x128xf32, #tpu.memory_space<hbm>>, %arg3: memref<320000xi32, #tpu.memory_space<hbm>>, %arg4: memref<320000xi32, #tpu.memory_space<hbm>>, %arg5: memref<2x10000x128xf32, #tpu.memory_space<hbm>>, %arg6: memref<10000xi32, #tpu.memory_space<vmem>>, %arg7: memref<10000xi32, #tpu.memory_space<vmem>>, %arg8: memref<80x128xf32, #tpu.memory_space<vmem>>, %arg9: memref<80x128xf32, #tpu.memory_space<vmem>>, %arg10: memref<80x128xf32, #tpu.memory_space<vmem>>, %arg11: memref<10000x128xf32, #tpu.memory_space<vmem_shared>>, %arg12: memref<!tpu.dma_semaphore, #tpu.memory_space<semaphore_mem>>, %arg13: memref<!tpu.dma_semaphore, #tpu.memory_space<semaphore_mem>>, %arg14: memref<!tpu.dma_semaphore, #tpu.memory_space<semaphore_mem>>, %arg15: memref<!tpu.dma_semaphore, #tpu.memory_space<semaphore_mem>>, %arg16: memref<!tpu.dma_semaphore, #tpu.memory_space<semaphore_mem>>, %arg17: memref<!tpu.dma_semaphore, #tpu.memory_space<semaphore_mem>>, %arg18: memref<!tpu.dma_semaphore, #tpu.memory_space<semaphore_mem>>) attributes {dimension_semantics = [#tpu.dimension_semantics<core_parallel>, #tpu.dimension_semantics<subcore_parallel>], iteration_bounds = array<i64: 2, 16>, scalar_prefetch = 0 : i64, scratch_operands = 13 : i64, tpu.core_type = #tpu.core_type<sc_vector_subcore>, window_params = [{transform_indices = #map}, {transform_indices = #map1}, {transform_indices = #map1}, {transform_indices = #map2}]} {
    %mul3A = arith.constant 2 : i32
    %mul3A_0 = arith.muli %arg1, %mul3A : i32
    %add3A = arith.addi %mul3A_0, %arg0 : i32
    %mul3A_1 = arith.constant 10000 : i32
    %mul3A_2 = arith.muli %add3A, %mul3A_1 : i32
    %dma_start3A = tpu.memref_slice %arg3[%mul3A_2] : memref<320000xi32, #tpu.memory_space<hbm>> -> memref<10000xi32, #tpu.memory_space<hbm>>
    %dma_start3A_3 = tpu.memref_slice %arg3[%mul3A_2] : memref<320000xi32, #tpu.memory_space<hbm>> -> memref<10000xi32, #tpu.memory_space<hbm>>
    tpu.enqueue_dma source(%dma_start3A_3 : memref<10000xi32, #tpu.memory_space<hbm>>) target(%arg6 : memref<10000xi32, #tpu.memory_space<vmem>>) target_semaphore(%arg12 : memref<!tpu.dma_semaphore, #tpu.memory_space<semaphore_mem>>)
    %dma_start3A_4 = tpu.memref_slice %arg4[%mul3A_2] : memref<320000xi32, #tpu.memory_space<hbm>> -> memref<10000xi32, #tpu.memory_space<hbm>>
    %dma_start3A_5 = tpu.memref_slice %arg4[%mul3A_2] : memref<320000xi32, #tpu.memory_space<hbm>> -> memref<10000xi32, #tpu.memory_space<hbm>>
    tpu.enqueue_dma source(%dma_start3A_5 : memref<10000xi32, #tpu.memory_space<hbm>>) target(%arg7 : memref<10000xi32, #tpu.memory_space<vmem>>) target_semaphore(%arg12 : memref<!tpu.dma_semaphore, #tpu.memory_space<semaphore_mem>>)
    %mul3A_6 = arith.constant 624 : i32
    %mul3A_7 = arith.muli %arg1, %mul3A_6 : i32
    "tpu.region"() ({
      %run_scoped3A = tpu.sem_alloc : memref<!tpu.dma_semaphore, #tpu.memory_space<semaphore_mem>>
      %dma_start3A_43 = arith.constant 0 : i32
      %dma_start3A_44 = tpu.memref_slice %arg11[%mul3A_7, %dma_start3A_43] : memref<10000x128xf32, #tpu.memory_space<vmem_shared>> -> memref<624x128xf32, #tpu.memory_space<vmem_shared>>
      %dma_start3A_45 = arith.constant 0 : i32
      %dma_start3A_46 = tpu.memref_slice %arg2[%mul3A_7, %dma_start3A_45] : memref<10000x128xf32, #tpu.memory_space<hbm>> -> memref<624x128xf32, #tpu.memory_space<hbm>>
      tpu.enqueue_dma source(%dma_start3A_46 : memref<624x128xf32, #tpu.memory_space<hbm>>) target(%dma_start3A_44 : memref<624x128xf32, #tpu.memory_space<vmem_shared>>) target_semaphore(%run_scoped3A : memref<!tpu.dma_semaphore, #tpu.memory_space<semaphore_mem>>)
      %dma_wait3A_47 = arith.constant 0 : i32
      %dma_wait3A_48 = tpu.memref_slice %arg11[%mul3A_7, %dma_wait3A_47] : memref<10000x128xf32, #tpu.memory_space<vmem_shared>> -> memref<624x128xf32, #tpu.memory_space<vmem_shared>>
      %dma_wait3A_49 = arith.constant 0 : i32
      %dma_wait3A_50 = tpu.memref_slice %arg2[%mul3A_7, %dma_wait3A_49] : memref<10000x128xf32, #tpu.memory_space<hbm>> -> memref<624x128xf32, #tpu.memory_space<hbm>>
      tpu.wait_dma2 semaphore(%run_scoped3A : memref<!tpu.dma_semaphore, #tpu.memory_space<semaphore_mem>>) src(%dma_wait3A_50 : memref<624x128xf32, #tpu.memory_space<hbm>>) dst(%dma_wait3A_48 : memref<624x128xf32, #tpu.memory_space<vmem_shared>>)
      tpu.yield
    }) : () -> ()
    %eq3A = arith.constant 0 : i32
    %eq3A_8 = arith.cmpi eq, %arg1, %eq3A : i32
    %convert_element_type3A = arith.extui %eq3A_8 : i1 to i32
    %cond3A = arith.constant 0 : i32
    %cond3A_9 = arith.cmpi ne, %convert_element_type3A, %cond3A : i32
    scf.if %cond3A_9 {
      "tpu.region"() ({
        %run_scoped3A = tpu.sem_alloc : memref<!tpu.dma_semaphore, #tpu.memory_space<semaphore_mem>>
        %dma_start3A_43 = arith.constant 9984 : i32
        %dma_start3A_44 = arith.constant 0 : i32
        %dma_start3A_45 = tpu.memref_slice %arg11[%dma_start3A_43, %dma_start3A_44] : memref<10000x128xf32, #tpu.memory_space<vmem_shared>> -> memref<16x128xf32, #tpu.memory_space<vmem_shared>>
        %dma_start3A_46 = arith.constant 9984 : i32
        %dma_start3A_47 = arith.constant 0 : i32
        %dma_start3A_48 = tpu.memref_slice %arg2[%dma_start3A_46, %dma_start3A_47] : memref<10000x128xf32, #tpu.memory_space<hbm>> -> memref<16x128xf32, #tpu.memory_space<hbm>>
        tpu.enqueue_dma source(%dma_start3A_48 : memref<16x128xf32, #tpu.memory_space<hbm>>) target(%dma_start3A_45 : memref<16x128xf32, #tpu.memory_space<vmem_shared>>) target_semaphore(%run_scoped3A : memref<!tpu.dma_semaphore, #tpu.memory_space<semaphore_mem>>)
        %dma_wait3A_49 = arith.constant 9984 : i32
        %dma_wait3A_50 = arith.constant 0 : i32
        %dma_wait3A_51 = tpu.memref_slice %arg11[%dma_wait3A_49, %dma_wait3A_50] : memref<10000x128xf32, #tpu.memory_space<vmem_shared>> -> memref<16x128xf32, #tpu.memory_space<vmem_shared>>
        %dma_wait3A_52 = arith.constant 9984 : i32
        %dma_wait3A_53 = arith.constant 0 : i32
        %dma_wait3A_54 = tpu.memref_slice %arg2[%dma_wait3A_52, %dma_wait3A_53] : memref<10000x128xf32, #tpu.memory_space<hbm>> -> memref<16x128xf32, #tpu.memory_space<hbm>>
        tpu.wait_dma2 semaphore(%run_scoped3A : memref<!tpu.dma_semaphore, #tpu.memory_space<semaphore_mem>>) src(%dma_wait3A_54 : memref<16x128xf32, #tpu.memory_space<hbm>>) dst(%dma_wait3A_51 : memref<16x128xf32, #tpu.memory_space<vmem_shared>>)
        tpu.yield
      }) : () -> ()
    } else {
    }
    %dma_wait3A = arith.constant 0 : i32
    %dma_wait3A_10 = tpu.memref_slice %arg3[%dma_wait3A] : memref<320000xi32, #tpu.memory_space<hbm>> -> memref<10000xi32, #tpu.memory_space<hbm>>
    %dma_wait3A_11 = arith.constant 0 : i32
    %dma_wait3A_12 = tpu.memref_slice %arg3[%dma_wait3A_11] : memref<320000xi32, #tpu.memory_space<hbm>> -> memref<10000xi32, #tpu.memory_space<hbm>>
    tpu.wait_dma2 semaphore(%arg12 : memref<!tpu.dma_semaphore, #tpu.memory_space<semaphore_mem>>) src(%dma_wait3A_12 : memref<10000xi32, #tpu.memory_space<hbm>>) dst(%arg6 : memref<10000xi32, #tpu.memory_space<vmem>>)
    %dma_wait3A_13 = arith.constant 0 : i32
    %dma_wait3A_14 = tpu.memref_slice %arg4[%dma_wait3A_13] : memref<320000xi32, #tpu.memory_space<hbm>> -> memref<10000xi32, #tpu.memory_space<hbm>>
    %dma_wait3A_15 = arith.constant 0 : i32
    %dma_wait3A_16 = tpu.memref_slice %arg4[%dma_wait3A_15] : memref<320000xi32, #tpu.memory_space<hbm>> -> memref<10000xi32, #tpu.memory_space<hbm>>
    tpu.wait_dma2 semaphore(%arg12 : memref<!tpu.dma_semaphore, #tpu.memory_space<semaphore_mem>>) src(%dma_wait3A_16 : memref<10000xi32, #tpu.memory_space<hbm>>) dst(%arg7 : memref<10000xi32, #tpu.memory_space<vmem>>)
    %barrier3A = arith.constant 0 : index
    tpu.barrier barrier_id(%barrier3A)
    %dma_start3A_17 = arith.constant 0 : i32
    %dma_start3A_18 = tpu.memref_slice %arg6[%dma_start3A_17] : memref<10000xi32, #tpu.memory_space<vmem>> -> memref<80xi32, #tpu.memory_space<vmem>>
    %dma_start3A_19 = arith.constant 0 : i32
    %dma_start3A_20 = arith.constant 0 : i32
    %dma_start3A_21 = tpu.memref_slice %arg2[%dma_start3A_19, %dma_start3A_20] : memref<10000x128xf32, #tpu.memory_space<hbm>> -> memref<10000x128xf32, #tpu.memory_space<hbm>>
    tpu.enqueue_indirect_dma source(%dma_start3A_21 : memref<10000x128xf32, #tpu.memory_space<hbm>>) target(%arg8 : memref<80x128xf32, #tpu.memory_space<vmem>>) offsets(%dma_start3A_18 : memref<80xi32, #tpu.memory_space<vmem>>) semaphore(%arg13 : memref<!tpu.dma_semaphore, #tpu.memory_space<semaphore_mem>>)
    %dma_start3A_22 = arith.constant 80 : i32
    %dma_start3A_23 = tpu.memref_slice %arg6[%dma_start3A_22] : memref<10000xi32, #tpu.memory_space<vmem>> -> memref<80xi32, #tpu.memory_space<vmem>>
    %dma_start3A_24 = arith.constant 0 : i32
    %dma_start3A_25 = arith.constant 0 : i32
    %dma_start3A_26 = tpu.memref_slice %arg2[%dma_start3A_24, %dma_start3A_25] : memref<10000x128xf32, #tpu.memory_space<hbm>> -> memref<10000x128xf32, #tpu.memory_space<hbm>>
    tpu.enqueue_indirect_dma source(%dma_start3A_26 : memref<10000x128xf32, #tpu.memory_space<hbm>>) target(%arg9 : memref<80x128xf32, #tpu.memory_space<vmem>>) offsets(%dma_start3A_23 : memref<80xi32, #tpu.memory_space<vmem>>) semaphore(%arg14 : memref<!tpu.dma_semaphore, #tpu.memory_space<semaphore_mem>>)
    %scan3A = arith.constant 0 : i32
    %scan3A_27 = arith.constant 125 : i32
    %scan3A_28 = arith.addi %scan3A, %scan3A_27 : i32
    %scan3A_29 = arith.constant 1 : i32
    scf.for %scan3A_43 = %scan3A to %scan3A_28 step %scan3A_29  : i32 {
      %mul3A_44 = arith.constant 1 : i32
      %mul3A_45 = arith.muli %scan3A_43, %mul3A_44 : i32
      %add3A_46 = arith.constant 0 : i32
      %add3A_47 = arith.addi %add3A_46, %mul3A_45 : i32
      %rem3A = arith.constant 3 : i32
      %rem3A_48 = arith.remsi %add3A_47, %rem3A : i32
      %eq3A_49 = arith.constant 0 : i32
      %eq3A_50 = arith.cmpi eq, %rem3A_48, %eq3A_49 : i32
      %convert_element_type3A_51 = arith.extui %eq3A_50 : i1 to i32
      %cond3A_52 = arith.constant 0 : i32
      %cond3A_53 = arith.cmpi ne, %convert_element_type3A_51, %cond3A_52 : i32
      scf.if %cond3A_53 {
        %dma_wait3A_68 = arith.constant 0 : i32
        %dma_wait3A_69 = arith.constant 0 : i32
        %dma_wait3A_70 = tpu.memref_slice %arg2[%dma_wait3A_68, %dma_wait3A_69] : memref<10000x128xf32, #tpu.memory_space<hbm>> -> memref<80x128xf32, #tpu.memory_space<hbm>>
        %dma_wait3A_71 = arith.constant 0 : i32
        %dma_wait3A_72 = arith.constant 0 : i32
        %dma_wait3A_73 = tpu.memref_slice %arg2[%dma_wait3A_71, %dma_wait3A_72] : memref<10000x128xf32, #tpu.memory_space<hbm>> -> memref<80x128xf32, #tpu.memory_space<hbm>>
        tpu.wait_dma2 semaphore(%arg13 : memref<!tpu.dma_semaphore, #tpu.memory_space<semaphore_mem>>) src(%dma_wait3A_73 : memref<80x128xf32, #tpu.memory_space<hbm>>) dst(%arg8 : memref<80x128xf32, #tpu.memory_space<vmem>>)
        %ge3A = arith.constant 1 : i32
        %ge3A_74 = arith.cmpi sge, %add3A_47, %ge3A : i32
        %convert_element_type3A_75 = arith.extui %ge3A_74 : i1 to i32
        %cond3A_76 = arith.constant 0 : i32
        %cond3A_77 = arith.cmpi ne, %convert_element_type3A_75, %cond3A_76 : i32
        scf.if %cond3A_77 {
          %dma_wait3A_90 = arith.constant 0 : i32
          %dma_wait3A_91 = arith.constant 0 : i32
          %dma_wait3A_92 = tpu.memref_slice %arg2[%dma_wait3A_90, %dma_wait3A_91] : memref<10000x128xf32, #tpu.memory_space<hbm>> -> memref<80x128xf32, #tpu.memory_space<hbm>>
          %dma_wait3A_93 = arith.constant 0 : i32
          %dma_wait3A_94 = arith.constant 0 : i32
          %dma_wait3A_95 = tpu.memref_slice %arg2[%dma_wait3A_93, %dma_wait3A_94] : memref<10000x128xf32, #tpu.memory_space<hbm>> -> memref<80x128xf32, #tpu.memory_space<hbm>>
          tpu.wait_dma2 semaphore(%arg18 : memref<!tpu.dma_semaphore, #tpu.memory_space<semaphore_mem>>) src(%dma_wait3A_95 : memref<80x128xf32, #tpu.memory_space<hbm>>) dst(%arg10 : memref<80x128xf32, #tpu.memory_space<vmem>>)
        } else {
        }
        %add3A_78 = arith.constant 2 : i32
        %add3A_79 = arith.addi %add3A_47, %add3A_78 : i32
        %lt3A = arith.constant 125 : i32
        %lt3A_80 = arith.cmpi slt, %add3A_79, %lt3A : i32
        %convert_element_type3A_81 = arith.extui %lt3A_80 : i1 to i32
        %cond3A_82 = arith.constant 0 : i32
        %cond3A_83 = arith.cmpi ne, %convert_element_type3A_81, %cond3A_82 : i32
        scf.if %cond3A_83 {
          %add3A_90 = arith.constant 2 : i32
          %add3A_91 = arith.addi %add3A_47, %add3A_90 : i32
          %mul3A_92 = arith.constant 80 : i32
          %mul3A_93 = arith.muli %add3A_91, %mul3A_92 : i32
          %dma_start3A_94 = tpu.memref_slice %arg6[%mul3A_93] : memref<10000xi32, #tpu.memory_space<vmem>> -> memref<80xi32, #tpu.memory_space<vmem>>
          %dma_start3A_95 = arith.constant 0 : i32
          %dma_start3A_96 = arith.constant 0 : i32
          %dma_start3A_97 = tpu.memref_slice %arg2[%dma_start3A_95, %dma_start3A_96] : memref<10000x128xf32, #tpu.memory_space<hbm>> -> memref<10000x128xf32, #tpu.memory_space<hbm>>
          tpu.enqueue_indirect_dma source(%dma_start3A_97 : memref<10000x128xf32, #tpu.memory_space<hbm>>) target(%arg10 : memref<80x128xf32, #tpu.memory_space<vmem>>) offsets(%dma_start3A_94 : memref<80xi32, #tpu.memory_space<vmem>>) semaphore(%arg15 : memref<!tpu.dma_semaphore, #tpu.memory_space<semaphore_mem>>)
        } else {
        }
        %mul3A_84 = arith.constant 80 : i32
        %mul3A_85 = arith.muli %add3A_47, %mul3A_84 : i32
        %dma_start3A_86 = tpu.memref_slice %arg7[%mul3A_85] : memref<10000xi32, #tpu.memory_space<vmem>> -> memref<80xi32, #tpu.memory_space<vmem>>
        %dma_start3A_87 = arith.constant 0 : i32
        %dma_start3A_88 = arith.constant 0 : i32
        %dma_start3A_89 = tpu.memref_slice %arg11[%dma_start3A_87, %dma_start3A_88] : memref<10000x128xf32, #tpu.memory_space<vmem_shared>> -> memref<10000x128xf32, #tpu.memory_space<vmem_shared>>
        tpu.enqueue_indirect_dma source(%arg8 : memref<80x128xf32, #tpu.memory_space<vmem>>) target(%dma_start3A_89 : memref<10000x128xf32, #tpu.memory_space<vmem_shared>>) offsets(%dma_start3A_86 : memref<80xi32, #tpu.memory_space<vmem>>) semaphore(%arg16 : memref<!tpu.dma_semaphore, #tpu.memory_space<semaphore_mem>>) {add = true}
      } else {
      }
      %rem3A_54 = arith.constant 3 : i32
      %rem3A_55 = arith.remsi %add3A_47, %rem3A_54 : i32
      %eq3A_56 = arith.constant 1 : i32
      %eq3A_57 = arith.cmpi eq, %rem3A_55, %eq3A_56 : i32
      %convert_element_type3A_58 = arith.extui %eq3A_57 : i1 to i32
      %cond3A_59 = arith.constant 0 : i32
      %cond3A_60 = arith.cmpi ne, %convert_element_type3A_58, %cond3A_59 : i32
      scf.if %cond3A_60 {
        %dma_wait3A_68 = arith.constant 0 : i32
        %dma_wait3A_69 = arith.constant 0 : i32
        %dma_wait3A_70 = tpu.memref_slice %arg2[%dma_wait3A_68, %dma_wait3A_69] : memref<10000x128xf32, #tpu.memory_space<hbm>> -> memref<80x128xf32, #tpu.memory_space<hbm>>
        %dma_wait3A_71 = arith.constant 0 : i32
        %dma_wait3A_72 = arith.constant 0 : i32
        %dma_wait3A_73 = tpu.memref_slice %arg2[%dma_wait3A_71, %dma_wait3A_72] : memref<10000x128xf32, #tpu.memory_space<hbm>> -> memref<80x128xf32, #tpu.memory_space<hbm>>
        tpu.wait_dma2 semaphore(%arg14 : memref<!tpu.dma_semaphore, #tpu.memory_space<semaphore_mem>>) src(%dma_wait3A_73 : memref<80x128xf32, #tpu.memory_space<hbm>>) dst(%arg9 : memref<80x128xf32, #tpu.memory_space<vmem>>)
        %ge3A = arith.constant 1 : i32
        %ge3A_74 = arith.cmpi sge, %add3A_47, %ge3A : i32
        %convert_element_type3A_75 = arith.extui %ge3A_74 : i1 to i32
        %cond3A_76 = arith.constant 0 : i32
        %cond3A_77 = arith.cmpi ne, %convert_element_type3A_75, %cond3A_76 : i32
        scf.if %cond3A_77 {
          %dma_wait3A_90 = arith.constant 0 : i32
          %dma_wait3A_91 = arith.constant 0 : i32
          %dma_wait3A_92 = tpu.memref_slice %arg2[%dma_wait3A_90, %dma_wait3A_91] : memref<10000x128xf32, #tpu.memory_space<hbm>> -> memref<80x128xf32, #tpu.memory_space<hbm>>
          %dma_wait3A_93 = arith.constant 0 : i32
          %dma_wait3A_94 = arith.constant 0 : i32
          %dma_wait3A_95 = tpu.memref_slice %arg2[%dma_wait3A_93, %dma_wait3A_94] : memref<10000x128xf32, #tpu.memory_space<hbm>> -> memref<80x128xf32, #tpu.memory_space<hbm>>
          tpu.wait_dma2 semaphore(%arg16 : memref<!tpu.dma_semaphore, #tpu.memory_space<semaphore_mem>>) src(%dma_wait3A_95 : memref<80x128xf32, #tpu.memory_space<hbm>>) dst(%arg8 : memref<80x128xf32, #tpu.memory_space<vmem>>)
        } else {
        }
        %add3A_78 = arith.constant 2 : i32
        %add3A_79 = arith.addi %add3A_47, %add3A_78 : i32
        %lt3A = arith.constant 125 : i32
        %lt3A_80 = arith.cmpi slt, %add3A_79, %lt3A : i32
        %convert_element_type3A_81 = arith.extui %lt3A_80 : i1 to i32
        %cond3A_82 = arith.constant 0 : i32
        %cond3A_83 = arith.cmpi ne, %convert_element_type3A_81, %cond3A_82 : i32
        scf.if %cond3A_83 {
          %add3A_90 = arith.constant 2 : i32
          %add3A_91 = arith.addi %add3A_47, %add3A_90 : i32
          %mul3A_92 = arith.constant 80 : i32
          %mul3A_93 = arith.muli %add3A_91, %mul3A_92 : i32
          %dma_start3A_94 = tpu.memref_slice %arg6[%mul3A_93] : memref<10000xi32, #tpu.memory_space<vmem>> -> memref<80xi32, #tpu.memory_space<vmem>>
          %dma_start3A_95 = arith.constant 0 : i32
          %dma_start3A_96 = arith.constant 0 : i32
          %dma_start3A_97 = tpu.memref_slice %arg2[%dma_start3A_95, %dma_start3A_96] : memref<10000x128xf32, #tpu.memory_space<hbm>> -> memref<10000x128xf32, #tpu.memory_space<hbm>>
          tpu.enqueue_indirect_dma source(%dma_start3A_97 : memref<10000x128xf32, #tpu.memory_space<hbm>>) target(%arg8 : memref<80x128xf32, #tpu.memory_space<vmem>>) offsets(%dma_start3A_94 : memref<80xi32, #tpu.memory_space<vmem>>) semaphore(%arg13 : memref<!tpu.dma_semaphore, #tpu.memory_space<semaphore_mem>>)
        } else {
        }
        %mul3A_84 = arith.constant 80 : i32
        %mul3A_85 = arith.muli %add3A_47, %mul3A_84 : i32
        %dma_start3A_86 = tpu.memref_slice %arg7[%mul3A_85] : memref<10000xi32, #tpu.memory_space<vmem>> -> memref<80xi32, #tpu.memory_space<vmem>>
        %dma_start3A_87 = arith.constant 0 : i32
        %dma_start3A_88 = arith.constant 0 : i32
        %dma_start3A_89 = tpu.memref_slice %arg11[%dma_start3A_87, %dma_start3A_88] : memref<10000x128xf32, #tpu.memory_space<vmem_shared>> -> memref<10000x128xf32, #tpu.memory_space<vmem_shared>>
        tpu.enqueue_indirect_dma source(%arg9 : memref<80x128xf32, #tpu.memory_space<vmem>>) target(%dma_start3A_89 : memref<10000x128xf32, #tpu.memory_space<vmem_shared>>) offsets(%dma_start3A_86 : memref<80xi32, #tpu.memory_space<vmem>>) semaphore(%arg17 : memref<!tpu.dma_semaphore, #tpu.memory_space<semaphore_mem>>) {add = true}
      } else {
      }
      %rem3A_61 = arith.constant 3 : i32
      %rem3A_62 = arith.remsi %add3A_47, %rem3A_61 : i32
      %eq3A_63 = arith.constant 2 : i32
      %eq3A_64 = arith.cmpi eq, %rem3A_62, %eq3A_63 : i32
      %convert_element_type3A_65 = arith.extui %eq3A_64 : i1 to i32
      %cond3A_66 = arith.constant 0 : i32
      %cond3A_67 = arith.cmpi ne, %convert_element_type3A_65, %cond3A_66 : i32
      scf.if %cond3A_67 {
        %dma_wait3A_68 = arith.constant 0 : i32
        %dma_wait3A_69 = arith.constant 0 : i32
        %dma_wait3A_70 = tpu.memref_slice %arg2[%dma_wait3A_68, %dma_wait3A_69] : memref<10000x128xf32, #tpu.memory_space<hbm>> -> memref<80x128xf32, #tpu.memory_space<hbm>>
        %dma_wait3A_71 = arith.constant 0 : i32
        %dma_wait3A_72 = arith.constant 0 : i32
        %dma_wait3A_73 = tpu.memref_slice %arg2[%dma_wait3A_71, %dma_wait3A_72] : memref<10000x128xf32, #tpu.memory_space<hbm>> -> memref<80x128xf32, #tpu.memory_space<hbm>>
        tpu.wait_dma2 semaphore(%arg15 : memref<!tpu.dma_semaphore, #tpu.memory_space<semaphore_mem>>) src(%dma_wait3A_73 : memref<80x128xf32, #tpu.memory_space<hbm>>) dst(%arg10 : memref<80x128xf32, #tpu.memory_space<vmem>>)
        %ge3A = arith.constant 1 : i32
        %ge3A_74 = arith.cmpi sge, %add3A_47, %ge3A : i32
        %convert_element_type3A_75 = arith.extui %ge3A_74 : i1 to i32
        %cond3A_76 = arith.constant 0 : i32
        %cond3A_77 = arith.cmpi ne, %convert_element_type3A_75, %cond3A_76 : i32
        scf.if %cond3A_77 {
          %dma_wait3A_90 = arith.constant 0 : i32
          %dma_wait3A_91 = arith.constant 0 : i32
          %dma_wait3A_92 = tpu.memref_slice %arg2[%dma_wait3A_90, %dma_wait3A_91] : memref<10000x128xf32, #tpu.memory_space<hbm>> -> memref<80x128xf32, #tpu.memory_space<hbm>>
          %dma_wait3A_93 = arith.constant 0 : i32
          %dma_wait3A_94 = arith.constant 0 : i32
          %dma_wait3A_95 = tpu.memref_slice %arg2[%dma_wait3A_93, %dma_wait3A_94] : memref<10000x128xf32, #tpu.memory_space<hbm>> -> memref<80x128xf32, #tpu.memory_space<hbm>>
          tpu.wait_dma2 semaphore(%arg17 : memref<!tpu.dma_semaphore, #tpu.memory_space<semaphore_mem>>) src(%dma_wait3A_95 : memref<80x128xf32, #tpu.memory_space<hbm>>) dst(%arg9 : memref<80x128xf32, #tpu.memory_space<vmem>>)
        } else {
        }
        %add3A_78 = arith.constant 2 : i32
        %add3A_79 = arith.addi %add3A_47, %add3A_78 : i32
        %lt3A = arith.constant 125 : i32
        %lt3A_80 = arith.cmpi slt, %add3A_79, %lt3A : i32
        %convert_element_type3A_81 = arith.extui %lt3A_80 : i1 to i32
        %cond3A_82 = arith.constant 0 : i32
        %cond3A_83 = arith.cmpi ne, %convert_element_type3A_81, %cond3A_82 : i32
        scf.if %cond3A_83 {
          %add3A_90 = arith.constant 2 : i32
          %add3A_91 = arith.addi %add3A_47, %add3A_90 : i32
          %mul3A_92 = arith.constant 80 : i32
          %mul3A_93 = arith.muli %add3A_91, %mul3A_92 : i32
          %dma_start3A_94 = tpu.memref_slice %arg6[%mul3A_93] : memref<10000xi32, #tpu.memory_space<vmem>> -> memref<80xi32, #tpu.memory_space<vmem>>
          %dma_start3A_95 = arith.constant 0 : i32
          %dma_start3A_96 = arith.constant 0 : i32
          %dma_start3A_97 = tpu.memref_slice %arg2[%dma_start3A_95, %dma_start3A_96] : memref<10000x128xf32, #tpu.memory_space<hbm>> -> memref<10000x128xf32, #tpu.memory_space<hbm>>
          tpu.enqueue_indirect_dma source(%dma_start3A_97 : memref<10000x128xf32, #tpu.memory_space<hbm>>) target(%arg9 : memref<80x128xf32, #tpu.memory_space<vmem>>) offsets(%dma_start3A_94 : memref<80xi32, #tpu.memory_space<vmem>>) semaphore(%arg14 : memref<!tpu.dma_semaphore, #tpu.memory_space<semaphore_mem>>)
        } else {
        }
        %mul3A_84 = arith.constant 80 : i32
        %mul3A_85 = arith.muli %add3A_47, %mul3A_84 : i32
        %dma_start3A_86 = tpu.memref_slice %arg7[%mul3A_85] : memref<10000xi32, #tpu.memory_space<vmem>> -> memref<80xi32, #tpu.memory_space<vmem>>
        %dma_start3A_87 = arith.constant 0 : i32
        %dma_start3A_88 = arith.constant 0 : i32
        %dma_start3A_89 = tpu.memref_slice %arg11[%dma_start3A_87, %dma_start3A_88] : memref<10000x128xf32, #tpu.memory_space<vmem_shared>> -> memref<10000x128xf32, #tpu.memory_space<vmem_shared>>
        tpu.enqueue_indirect_dma source(%arg10 : memref<80x128xf32, #tpu.memory_space<vmem>>) target(%dma_start3A_89 : memref<10000x128xf32, #tpu.memory_space<vmem_shared>>) offsets(%dma_start3A_86 : memref<80xi32, #tpu.memory_space<vmem>>) semaphore(%arg18 : memref<!tpu.dma_semaphore, #tpu.memory_space<semaphore_mem>>) {add = true}
      } else {
      }
    }
    %scan3A_30 = arith.constant 125 : i32
    %dma_wait3A_31 = arith.constant 0 : i32
    %dma_wait3A_32 = arith.constant 0 : i32
    %dma_wait3A_33 = tpu.memref_slice %arg2[%dma_wait3A_31, %dma_wait3A_32] : memref<10000x128xf32, #tpu.memory_space<hbm>> -> memref<80x128xf32, #tpu.memory_space<hbm>>
    %dma_wait3A_34 = arith.constant 0 : i32
    %dma_wait3A_35 = arith.constant 0 : i32
    %dma_wait3A_36 = tpu.memref_slice %arg2[%dma_wait3A_34, %dma_wait3A_35] : memref<10000x128xf32, #tpu.memory_space<hbm>> -> memref<80x128xf32, #tpu.memory_space<hbm>>
    tpu.wait_dma2 semaphore(%arg17 : memref<!tpu.dma_semaphore, #tpu.memory_space<semaphore_mem>>) src(%dma_wait3A_36 : memref<80x128xf32, #tpu.memory_space<hbm>>) dst(%arg9 : memref<80x128xf32, #tpu.memory_space<vmem>>)
    %barrier3A_37 = arith.constant 0 : index
    tpu.barrier barrier_id(%barrier3A_37)
    "tpu.region"() ({
      %run_scoped3A = tpu.sem_alloc : memref<!tpu.dma_semaphore, #tpu.memory_space<semaphore_mem>>
      %dma_start3A_43 = arith.constant 0 : i32
      %dma_start3A_44 = tpu.memref_slice %arg5[%arg0, %mul3A_7, %dma_start3A_43] : memref<2x10000x128xf32, #tpu.memory_space<hbm>> -> memref<1x624x128xf32, #tpu.memory_space<hbm>>
      %dma_start3A_45 = tpu.memref_squeeze %dma_start3A_44 : memref<1x624x128xf32, #tpu.memory_space<hbm>> -> memref<624x128xf32, #tpu.memory_space<hbm>>
      %dma_start3A_46 = arith.constant 0 : i32
      %dma_start3A_47 = tpu.memref_slice %arg11[%mul3A_7, %dma_start3A_46] : memref<10000x128xf32, #tpu.memory_space<vmem_shared>> -> memref<624x128xf32, #tpu.memory_space<vmem_shared>>
      tpu.enqueue_dma source(%dma_start3A_47 : memref<624x128xf32, #tpu.memory_space<vmem_shared>>) target(%dma_start3A_45 : memref<624x128xf32, #tpu.memory_space<hbm>>) target_semaphore(%run_scoped3A : memref<!tpu.dma_semaphore, #tpu.memory_space<semaphore_mem>>)
      %dma_wait3A_48 = arith.constant 0 : i32
      %dma_wait3A_49 = tpu.memref_slice %arg5[%arg0, %mul3A_7, %dma_wait3A_48] : memref<2x10000x128xf32, #tpu.memory_space<hbm>> -> memref<1x624x128xf32, #tpu.memory_space<hbm>>
      %dma_wait3A_50 = tpu.memref_squeeze %dma_wait3A_49 : memref<1x624x128xf32, #tpu.memory_space<hbm>> -> memref<624x128xf32, #tpu.memory_space<hbm>>
      %dma_wait3A_51 = arith.constant 0 : i32
      %dma_wait3A_52 = tpu.memref_slice %arg11[%mul3A_7, %dma_wait3A_51] : memref<10000x128xf32, #tpu.memory_space<vmem_shared>> -> memref<624x128xf32, #tpu.memory_space<vmem_shared>>
      tpu.wait_dma2 semaphore(%run_scoped3A : memref<!tpu.dma_semaphore, #tpu.memory_space<semaphore_mem>>) src(%dma_wait3A_52 : memref<624x128xf32, #tpu.memory_space<vmem_shared>>) dst(%dma_wait3A_50 : memref<624x128xf32, #tpu.memory_space<hbm>>)
      tpu.yield
    }) : () -> ()
    %eq3A_38 = arith.constant 0 : i32
    %eq3A_39 = arith.cmpi eq, %arg1, %eq3A_38 : i32
    %convert_element_type3A_40 = arith.extui %eq3A_39 : i1 to i32
    %cond3A_41 = arith.constant 0 : i32
    %cond3A_42 = arith.cmpi ne, %convert_element_type3A_40, %cond3A_41 : i32
    scf.if %cond3A_42 {
      "tpu.region"() ({
        %run_scoped3A = tpu.sem_alloc : memref<!tpu.dma_semaphore, #tpu.memory_space<semaphore_mem>>
        %dma_start3A_43 = arith.constant 9984 : i32
        %dma_start3A_44 = arith.constant 0 : i32
        %dma_start3A_45 = tpu.memref_slice %arg5[%arg0, %dma_start3A_43, %dma_start3A_44] : memref<2x10000x128xf32, #tpu.memory_space<hbm>> -> memref<1x16x128xf32, #tpu.memory_space<hbm>>
        %dma_start3A_46 = tpu.memref_squeeze %dma_start3A_45 : memref<1x16x128xf32, #tpu.memory_space<hbm>> -> memref<16x128xf32, #tpu.memory_space<hbm>>
        %dma_start3A_47 = arith.constant 9984 : i32
        %dma_start3A_48 = arith.constant 0 : i32
        %dma_start3A_49 = tpu.memref_slice %arg11[%dma_start3A_47, %dma_start3A_48] : memref<10000x128xf32, #tpu.memory_space<vmem_shared>> -> memref<16x128xf32, #tpu.memory_space<vmem_shared>>
        tpu.enqueue_dma source(%dma_start3A_49 : memref<16x128xf32, #tpu.memory_space<vmem_shared>>) target(%dma_start3A_46 : memref<16x128xf32, #tpu.memory_space<hbm>>) target_semaphore(%run_scoped3A : memref<!tpu.dma_semaphore, #tpu.memory_space<semaphore_mem>>)
        %dma_wait3A_50 = arith.constant 9984 : i32
        %dma_wait3A_51 = arith.constant 0 : i32
        %dma_wait3A_52 = tpu.memref_slice %arg5[%arg0, %dma_wait3A_50, %dma_wait3A_51] : memref<2x10000x128xf32, #tpu.memory_space<hbm>> -> memref<1x16x128xf32, #tpu.memory_space<hbm>>
        %dma_wait3A_53 = tpu.memref_squeeze %dma_wait3A_52 : memref<1x16x128xf32, #tpu.memory_space<hbm>> -> memref<16x128xf32, #tpu.memory_space<hbm>>
        %dma_wait3A_54 = arith.constant 9984 : i32
        %dma_wait3A_55 = arith.constant 0 : i32
        %dma_wait3A_56 = tpu.memref_slice %arg11[%dma_wait3A_54, %dma_wait3A_55] : memref<10000x128xf32, #tpu.memory_space<vmem_shared>> -> memref<16x128xf32, #tpu.memory_space<vmem_shared>>
        tpu.wait_dma2 semaphore(%run_scoped3A : memref<!tpu.dma_semaphore, #tpu.memory_space<semaphore_mem>>) src(%dma_wait3A_56 : memref<16x128xf32, #tpu.memory_space<vmem_shared>>) dst(%dma_wait3A_53 : memref<16x128xf32, #tpu.memory_space<hbm>>)
        tpu.yield
      }) : () -> ()
    } else {
    }
    return
  }
}

#map = affine_map<(d0, d1) -> (0)>
#map1 = affine_map<(d0, d1) -> (0, 0)>
#map2 = affine_map<(d0, d1) -> (0, 0, 0)>
module attributes {stable_mosaic.version = 14 : i64} {
  func.func @_deg_kernel(%arg0: i32, %arg1: i32, %arg2: memref<320000xi32, #tpu.memory_space<hbm>>, %arg3: memref<10000x16xf32, #tpu.memory_space<hbm>>, %arg4: memref<2x10000x16xf32, #tpu.memory_space<hbm>>, %arg5: memref<200x16xf32, #tpu.memory_space<vmem>>, %arg6: memref<10000xi32, #tpu.memory_space<vmem>>, %arg7: memref<10000x16xf32, #tpu.memory_space<vmem_shared>>, %arg8: memref<!tpu.dma_semaphore, #tpu.memory_space<semaphore_mem>>, %arg9: memref<!tpu.dma_semaphore, #tpu.memory_space<semaphore_mem>>) attributes {dimension_semantics = [#tpu.dimension_semantics<core_parallel>, #tpu.dimension_semantics<subcore_parallel>], iteration_bounds = array<i64: 2, 16>, scalar_prefetch = 0 : i64, scratch_operands = 5 : i64, tpu.core_type = #tpu.core_type<sc_vector_subcore>, window_params = [{transform_indices = #map}, {transform_indices = #map1}, {transform_indices = #map2}]} {
    %mul3A = arith.constant 2 : i32
    %mul3A_0 = arith.muli %arg1, %mul3A : i32
    %add3A = arith.addi %mul3A_0, %arg0 : i32
    %mul3A_1 = arith.constant 10000 : i32
    %mul3A_2 = arith.muli %add3A, %mul3A_1 : i32
    %dma_start3A = tpu.memref_slice %arg2[%mul3A_2] : memref<320000xi32, #tpu.memory_space<hbm>> -> memref<10000xi32, #tpu.memory_space<hbm>>
    %dma_start3A_3 = tpu.memref_slice %arg2[%mul3A_2] : memref<320000xi32, #tpu.memory_space<hbm>> -> memref<10000xi32, #tpu.memory_space<hbm>>
    tpu.enqueue_dma source(%dma_start3A_3 : memref<10000xi32, #tpu.memory_space<hbm>>) target(%arg6 : memref<10000xi32, #tpu.memory_space<vmem>>) target_semaphore(%arg8 : memref<!tpu.dma_semaphore, #tpu.memory_space<semaphore_mem>>)
    %mul3A_4 = arith.constant 624 : i32
    %mul3A_5 = arith.muli %arg1, %mul3A_4 : i32
    "tpu.region"() ({
      %run_scoped3A = tpu.sem_alloc : memref<!tpu.dma_semaphore, #tpu.memory_space<semaphore_mem>>
      %dma_start3A_21 = arith.constant 0 : i32
      %dma_start3A_22 = tpu.memref_slice %arg7[%mul3A_5, %dma_start3A_21] : memref<10000x16xf32, #tpu.memory_space<vmem_shared>> -> memref<624x16xf32, #tpu.memory_space<vmem_shared>>
      %dma_start3A_23 = arith.constant 0 : i32
      %dma_start3A_24 = tpu.memref_slice %arg3[%mul3A_5, %dma_start3A_23] : memref<10000x16xf32, #tpu.memory_space<hbm>> -> memref<624x16xf32, #tpu.memory_space<hbm>>
      tpu.enqueue_dma source(%dma_start3A_24 : memref<624x16xf32, #tpu.memory_space<hbm>>) target(%dma_start3A_22 : memref<624x16xf32, #tpu.memory_space<vmem_shared>>) target_semaphore(%run_scoped3A : memref<!tpu.dma_semaphore, #tpu.memory_space<semaphore_mem>>)
      %dma_wait3A_25 = arith.constant 0 : i32
      %dma_wait3A_26 = tpu.memref_slice %arg7[%mul3A_5, %dma_wait3A_25] : memref<10000x16xf32, #tpu.memory_space<vmem_shared>> -> memref<624x16xf32, #tpu.memory_space<vmem_shared>>
      %dma_wait3A_27 = arith.constant 0 : i32
      %dma_wait3A_28 = tpu.memref_slice %arg3[%mul3A_5, %dma_wait3A_27] : memref<10000x16xf32, #tpu.memory_space<hbm>> -> memref<624x16xf32, #tpu.memory_space<hbm>>
      tpu.wait_dma2 semaphore(%run_scoped3A : memref<!tpu.dma_semaphore, #tpu.memory_space<semaphore_mem>>) src(%dma_wait3A_28 : memref<624x16xf32, #tpu.memory_space<hbm>>) dst(%dma_wait3A_26 : memref<624x16xf32, #tpu.memory_space<vmem_shared>>)
      tpu.yield
    }) : () -> ()
    %eq3A = arith.constant 0 : i32
    %eq3A_6 = arith.cmpi eq, %arg1, %eq3A : i32
    %convert_element_type3A = arith.extui %eq3A_6 : i1 to i32
    %cond3A = arith.constant 0 : i32
    %cond3A_7 = arith.cmpi ne, %convert_element_type3A, %cond3A : i32
    scf.if %cond3A_7 {
      "tpu.region"() ({
        %run_scoped3A = tpu.sem_alloc : memref<!tpu.dma_semaphore, #tpu.memory_space<semaphore_mem>>
        %dma_start3A_21 = arith.constant 9984 : i32
        %dma_start3A_22 = arith.constant 0 : i32
        %dma_start3A_23 = tpu.memref_slice %arg7[%dma_start3A_21, %dma_start3A_22] : memref<10000x16xf32, #tpu.memory_space<vmem_shared>> -> memref<16x16xf32, #tpu.memory_space<vmem_shared>>
        %dma_start3A_24 = arith.constant 9984 : i32
        %dma_start3A_25 = arith.constant 0 : i32
        %dma_start3A_26 = tpu.memref_slice %arg3[%dma_start3A_24, %dma_start3A_25] : memref<10000x16xf32, #tpu.memory_space<hbm>> -> memref<16x16xf32, #tpu.memory_space<hbm>>
        tpu.enqueue_dma source(%dma_start3A_26 : memref<16x16xf32, #tpu.memory_space<hbm>>) target(%dma_start3A_23 : memref<16x16xf32, #tpu.memory_space<vmem_shared>>) target_semaphore(%run_scoped3A : memref<!tpu.dma_semaphore, #tpu.memory_space<semaphore_mem>>)
        %dma_wait3A_27 = arith.constant 9984 : i32
        %dma_wait3A_28 = arith.constant 0 : i32
        %dma_wait3A_29 = tpu.memref_slice %arg7[%dma_wait3A_27, %dma_wait3A_28] : memref<10000x16xf32, #tpu.memory_space<vmem_shared>> -> memref<16x16xf32, #tpu.memory_space<vmem_shared>>
        %dma_wait3A_30 = arith.constant 9984 : i32
        %dma_wait3A_31 = arith.constant 0 : i32
        %dma_wait3A_32 = tpu.memref_slice %arg3[%dma_wait3A_30, %dma_wait3A_31] : memref<10000x16xf32, #tpu.memory_space<hbm>> -> memref<16x16xf32, #tpu.memory_space<hbm>>
        tpu.wait_dma2 semaphore(%run_scoped3A : memref<!tpu.dma_semaphore, #tpu.memory_space<semaphore_mem>>) src(%dma_wait3A_32 : memref<16x16xf32, #tpu.memory_space<hbm>>) dst(%dma_wait3A_29 : memref<16x16xf32, #tpu.memory_space<vmem_shared>>)
        tpu.yield
      }) : () -> ()
    } else {
    }
    "tpu.region"() ({
      %run_scoped3A = tpu.sem_alloc : memref<!tpu.dma_semaphore, #tpu.memory_space<semaphore_mem>>
      %dma_start3A_21 = arith.constant 0 : i32
      %dma_start3A_22 = arith.constant 0 : i32
      %dma_start3A_23 = tpu.memref_slice %arg3[%dma_start3A_21, %dma_start3A_22] : memref<10000x16xf32, #tpu.memory_space<hbm>> -> memref<200x16xf32, #tpu.memory_space<hbm>>
      %dma_start3A_24 = arith.constant 0 : i32
      %dma_start3A_25 = arith.constant 0 : i32
      %dma_start3A_26 = tpu.memref_slice %arg3[%dma_start3A_24, %dma_start3A_25] : memref<10000x16xf32, #tpu.memory_space<hbm>> -> memref<200x16xf32, #tpu.memory_space<hbm>>
      tpu.enqueue_dma source(%dma_start3A_26 : memref<200x16xf32, #tpu.memory_space<hbm>>) target(%arg5 : memref<200x16xf32, #tpu.memory_space<vmem>>) target_semaphore(%run_scoped3A : memref<!tpu.dma_semaphore, #tpu.memory_space<semaphore_mem>>)
      %dma_wait3A_27 = arith.constant 0 : i32
      %dma_wait3A_28 = arith.constant 0 : i32
      %dma_wait3A_29 = tpu.memref_slice %arg3[%dma_wait3A_27, %dma_wait3A_28] : memref<10000x16xf32, #tpu.memory_space<hbm>> -> memref<200x16xf32, #tpu.memory_space<hbm>>
      %dma_wait3A_30 = arith.constant 0 : i32
      %dma_wait3A_31 = arith.constant 0 : i32
      %dma_wait3A_32 = tpu.memref_slice %arg3[%dma_wait3A_30, %dma_wait3A_31] : memref<10000x16xf32, #tpu.memory_space<hbm>> -> memref<200x16xf32, #tpu.memory_space<hbm>>
      tpu.wait_dma2 semaphore(%run_scoped3A : memref<!tpu.dma_semaphore, #tpu.memory_space<semaphore_mem>>) src(%dma_wait3A_32 : memref<200x16xf32, #tpu.memory_space<hbm>>) dst(%arg5 : memref<200x16xf32, #tpu.memory_space<vmem>>)
      tpu.yield
    }) : () -> ()
    %dma_wait3A = arith.constant 0 : i32
    %dma_wait3A_8 = tpu.memref_slice %arg2[%dma_wait3A] : memref<320000xi32, #tpu.memory_space<hbm>> -> memref<10000xi32, #tpu.memory_space<hbm>>
    %dma_wait3A_9 = arith.constant 0 : i32
    %dma_wait3A_10 = tpu.memref_slice %arg2[%dma_wait3A_9] : memref<320000xi32, #tpu.memory_space<hbm>> -> memref<10000xi32, #tpu.memory_space<hbm>>
    tpu.wait_dma2 semaphore(%arg8 : memref<!tpu.dma_semaphore, #tpu.memory_space<semaphore_mem>>) src(%dma_wait3A_10 : memref<10000xi32, #tpu.memory_space<hbm>>) dst(%arg6 : memref<10000xi32, #tpu.memory_space<vmem>>)
    %barrier3A = arith.constant 0 : index
    tpu.barrier barrier_id(%barrier3A)
    %scan3A = arith.constant 0 : i32
    %scan3A_11 = arith.constant 50 : i32
    %scan3A_12 = arith.addi %scan3A, %scan3A_11 : i32
    %scan3A_13 = arith.constant 1 : i32
    scf.for %scan3A_21 = %scan3A to %scan3A_12 step %scan3A_13  : i32 {
      %mul3A_22 = arith.constant 1 : i32
      %mul3A_23 = arith.muli %scan3A_21, %mul3A_22 : i32
      %add3A_24 = arith.constant 0 : i32
      %add3A_25 = arith.addi %add3A_24, %mul3A_23 : i32
      %mul3A_26 = arith.constant 200 : i32
      %mul3A_27 = arith.muli %add3A_25, %mul3A_26 : i32
      "tpu.region"() ({
        %run_scoped3A = tpu.sem_alloc : memref<!tpu.dma_semaphore, #tpu.memory_space<semaphore_mem>>
        %dma_start3A_28 = tpu.memref_slice %arg6[%mul3A_27] : memref<10000xi32, #tpu.memory_space<vmem>> -> memref<200xi32, #tpu.memory_space<vmem>>
        %dma_start3A_29 = arith.constant 0 : i32
        %dma_start3A_30 = arith.constant 0 : i32
        %dma_start3A_31 = tpu.memref_slice %arg7[%dma_start3A_29, %dma_start3A_30] : memref<10000x16xf32, #tpu.memory_space<vmem_shared>> -> memref<10000x16xf32, #tpu.memory_space<vmem_shared>>
        tpu.enqueue_indirect_dma source(%arg5 : memref<200x16xf32, #tpu.memory_space<vmem>>) target(%dma_start3A_31 : memref<10000x16xf32, #tpu.memory_space<vmem_shared>>) offsets(%dma_start3A_28 : memref<200xi32, #tpu.memory_space<vmem>>) semaphore(%run_scoped3A : memref<!tpu.dma_semaphore, #tpu.memory_space<semaphore_mem>>) {add = true}
        %dma_wait3A_32 = tpu.memref_slice %arg6[%mul3A_27] : memref<10000xi32, #tpu.memory_space<vmem>> -> memref<200xi32, #tpu.memory_space<vmem>>
        %dma_wait3A_33 = arith.constant 0 : i32
        %dma_wait3A_34 = arith.constant 0 : i32
        %dma_wait3A_35 = tpu.memref_slice %arg7[%dma_wait3A_33, %dma_wait3A_34] : memref<10000x16xf32, #tpu.memory_space<vmem_shared>> -> memref<10000x16xf32, #tpu.memory_space<vmem_shared>>
        tpu.wait_indirect_dma semaphore(%run_scoped3A : memref<!tpu.dma_semaphore, #tpu.memory_space<semaphore_mem>>) src(%arg5 : memref<200x16xf32, #tpu.memory_space<vmem>>) dst(%dma_wait3A_35 : memref<10000x16xf32, #tpu.memory_space<vmem_shared>>)
        tpu.yield
      }) : () -> ()
    }
    %scan3A_14 = arith.constant 50 : i32
    %barrier3A_15 = arith.constant 0 : index
    tpu.barrier barrier_id(%barrier3A_15)
    "tpu.region"() ({
      %run_scoped3A = tpu.sem_alloc : memref<!tpu.dma_semaphore, #tpu.memory_space<semaphore_mem>>
      %dma_start3A_21 = arith.constant 0 : i32
      %dma_start3A_22 = tpu.memref_slice %arg4[%arg0, %mul3A_5, %dma_start3A_21] : memref<2x10000x16xf32, #tpu.memory_space<hbm>> -> memref<1x624x16xf32, #tpu.memory_space<hbm>>
      %dma_start3A_23 = tpu.memref_squeeze %dma_start3A_22 : memref<1x624x16xf32, #tpu.memory_space<hbm>> -> memref<624x16xf32, #tpu.memory_space<hbm>>
      %dma_start3A_24 = arith.constant 0 : i32
      %dma_start3A_25 = tpu.memref_slice %arg7[%mul3A_5, %dma_start3A_24] : memref<10000x16xf32, #tpu.memory_space<vmem_shared>> -> memref<624x16xf32, #tpu.memory_space<vmem_shared>>
      tpu.enqueue_dma source(%dma_start3A_25 : memref<624x16xf32, #tpu.memory_space<vmem_shared>>) target(%dma_start3A_23 : memref<624x16xf32, #tpu.memory_space<hbm>>) target_semaphore(%run_scoped3A : memref<!tpu.dma_semaphore, #tpu.memory_space<semaphore_mem>>)
      %dma_wait3A_26 = arith.constant 0 : i32
      %dma_wait3A_27 = tpu.memref_slice %arg4[%arg0, %mul3A_5, %dma_wait3A_26] : memref<2x10000x16xf32, #tpu.memory_space<hbm>> -> memref<1x624x16xf32, #tpu.memory_space<hbm>>
      %dma_wait3A_28 = tpu.memref_squeeze %dma_wait3A_27 : memref<1x624x16xf32, #tpu.memory_space<hbm>> -> memref<624x16xf32, #tpu.memory_space<hbm>>
      %dma_wait3A_29 = arith.constant 0 : i32
      %dma_wait3A_30 = tpu.memref_slice %arg7[%mul3A_5, %dma_wait3A_29] : memref<10000x16xf32, #tpu.memory_space<vmem_shared>> -> memref<624x16xf32, #tpu.memory_space<vmem_shared>>
      tpu.wait_dma2 semaphore(%run_scoped3A : memref<!tpu.dma_semaphore, #tpu.memory_space<semaphore_mem>>) src(%dma_wait3A_30 : memref<624x16xf32, #tpu.memory_space<vmem_shared>>) dst(%dma_wait3A_28 : memref<624x16xf32, #tpu.memory_space<hbm>>)
      tpu.yield
    }) : () -> ()
    %eq3A_16 = arith.constant 0 : i32
    %eq3A_17 = arith.cmpi eq, %arg1, %eq3A_16 : i32
    %convert_element_type3A_18 = arith.extui %eq3A_17 : i1 to i32
    %cond3A_19 = arith.constant 0 : i32
    %cond3A_20 = arith.cmpi ne, %convert_element_type3A_18, %cond3A_19 : i32
    scf.if %cond3A_20 {
      "tpu.region"() ({
        %run_scoped3A = tpu.sem_alloc : memref<!tpu.dma_semaphore, #tpu.memory_space<semaphore_mem>>
        %dma_start3A_21 = arith.constant 9984 : i32
        %dma_start3A_22 = arith.constant 0 : i32
        %dma_start3A_23 = tpu.memref_slice %arg4[%arg0, %dma_start3A_21, %dma_start3A_22] : memref<2x10000x16xf32, #tpu.memory_space<hbm>> -> memref<1x16x16xf32, #tpu.memory_space<hbm>>
        %dma_start3A_24 = tpu.memref_squeeze %dma_start3A_23 : memref<1x16x16xf32, #tpu.memory_space<hbm>> -> memref<16x16xf32, #tpu.memory_space<hbm>>
        %dma_start3A_25 = arith.constant 9984 : i32
        %dma_start3A_26 = arith.constant 0 : i32
        %dma_start3A_27 = tpu.memref_slice %arg7[%dma_start3A_25, %dma_start3A_26] : memref<10000x16xf32, #tpu.memory_space<vmem_shared>> -> memref<16x16xf32, #tpu.memory_space<vmem_shared>>
        tpu.enqueue_dma source(%dma_start3A_27 : memref<16x16xf32, #tpu.memory_space<vmem_shared>>) target(%dma_start3A_24 : memref<16x16xf32, #tpu.memory_space<hbm>>) target_semaphore(%run_scoped3A : memref<!tpu.dma_semaphore, #tpu.memory_space<semaphore_mem>>)
        %dma_wait3A_28 = arith.constant 9984 : i32
        %dma_wait3A_29 = arith.constant 0 : i32
        %dma_wait3A_30 = tpu.memref_slice %arg4[%arg0, %dma_wait3A_28, %dma_wait3A_29] : memref<2x10000x16xf32, #tpu.memory_space<hbm>> -> memref<1x16x16xf32, #tpu.memory_space<hbm>>
        %dma_wait3A_31 = tpu.memref_squeeze %dma_wait3A_30 : memref<1x16x16xf32, #tpu.memory_space<hbm>> -> memref<16x16xf32, #tpu.memory_space<hbm>>
        %dma_wait3A_32 = arith.constant 9984 : i32
        %dma_wait3A_33 = arith.constant 0 : i32
        %dma_wait3A_34 = tpu.memref_slice %arg7[%dma_wait3A_32, %dma_wait3A_33] : memref<10000x16xf32, #tpu.memory_space<vmem_shared>> -> memref<16x16xf32, #tpu.memory_space<vmem_shared>>
        tpu.wait_dma2 semaphore(%run_scoped3A : memref<!tpu.dma_semaphore, #tpu.memory_space<semaphore_mem>>) src(%dma_wait3A_34 : memref<16x16xf32, #tpu.memory_space<vmem_shared>>) dst(%dma_wait3A_31 : memref<16x16xf32, #tpu.memory_space<hbm>>)
        tpu.yield
      }) : () -> ()
    } else {
    }
    return
  }
}

module attributes {stable_mosaic.version = 14 : i64} {
  func.func @_mid_body(%arg0: i32, %arg1: memref<2x2000x128xf32, #tpu.memory_space<vmem>>, %arg2: memref<2000x128xf32, #tpu.memory_space<vmem>>, %arg3: memref<2000x1xf32, #tpu.memory_space<vmem>>, %arg4: memref<128xf32, #tpu.memory_space<vmem>>, %arg5: memref<128x128xf32, #tpu.memory_space<vmem>>, %arg6: memref<2000x128xf32, #tpu.memory_space<vmem>>) attributes {dimension_semantics = [#tpu.dimension_semantics<arbitrary>], iteration_bounds = array<i64: 5>, scalar_prefetch = 0 : i64, scratch_operands = 0 : i64, tpu.core_type = #tpu.core_type<tc>, window_params = [{transform_indices = @transform_0, window_bounds = array<i64: 2, 2000, 128>}, {transform_indices = @transform_1, window_bounds = array<i64: 2000, 128>}, {transform_indices = @transform_2, window_bounds = array<i64: 2000, 1>}, {pipeline_mode = #tpu.pipeline_mode<synchronous>, transform_indices = @transform_3, window_bounds = array<i64: 128>}, {pipeline_mode = #tpu.pipeline_mode<synchronous>, transform_indices = @transform_4, window_bounds = array<i64: 128, 128>}, {transform_indices = @transform_5, window_bounds = array<i64: 2000, 128>}]} {
    %get3A = arith.constant 0 : index
    %get3A_0 = arith.constant 0 : index
    %get3A_1 = vector.load %arg3[%get3A, %get3A_0] : memref<2000x1xf32, #tpu.memory_space<vmem>>, vector<2000x1xf32>
    %get3A_2 = arith.constant 0 : index
    %get3A_3 = arith.constant 0 : index
    %get3A_4 = arith.constant 0 : index
    %get3A_5 = vector.load %arg1[%get3A_2, %get3A_3, %get3A_4] : memref<2x2000x128xf32, #tpu.memory_space<vmem>>, vector<1x2000x128xf32>
    %get3A_6 = vector.shape_cast %get3A_5 : vector<1x2000x128xf32> to vector<2000x128xf32>
    %get3A_7 = arith.constant 1 : index
    %get3A_8 = arith.constant 0 : index
    %get3A_9 = arith.constant 0 : index
    %get3A_10 = vector.load %arg1[%get3A_7, %get3A_8, %get3A_9] : memref<2x2000x128xf32, #tpu.memory_space<vmem>>, vector<1x2000x128xf32>
    %get3A_11 = vector.shape_cast %get3A_10 : vector<1x2000x128xf32> to vector<2000x128xf32>
    %add3A = arith.addf %get3A_6, %get3A_11 : vector<2000x128xf32>
    %get3A_12 = arith.constant 0 : index
    %get3A_13 = arith.constant 0 : index
    %get3A_14 = vector.load %arg2[%get3A_12, %get3A_13] : memref<2000x128xf32, #tpu.memory_space<vmem>>, vector<2000x128xf32>
    %sub3A = arith.subf %add3A, %get3A_14 : vector<2000x128xf32>
    %mul3A = vector.broadcast %get3A_1 : vector<2000x1xf32> to vector<2000x128xf32>
    %mul3A_15 = arith.mulf %mul3A, %sub3A : vector<2000x128xf32>
    %get3A_16 = arith.constant 0 : index
    %get3A_17 = vector.load %arg4[%get3A_16] : memref<128xf32, #tpu.memory_space<vmem>>, vector<128xf32>
    %broadcast_in_dim3A = vector.shape_cast %get3A_17 : vector<128xf32> to vector<1x128xf32>
    %add3A_18 = vector.broadcast %broadcast_in_dim3A : vector<1x128xf32> to vector<2000x128xf32>
    %add3A_19 = arith.addf %mul3A_15, %add3A_18 : vector<2000x128xf32>
    %max3A = arith.constant 0.000000e+00 : f32
    %max3A_20 = vector.broadcast %max3A : f32 to vector<2000x128xf32>
    %max3A_21 = arith.maximumf %add3A_19, %max3A_20 : vector<2000x128xf32>
    %get3A_22 = arith.constant 0 : index
    %get3A_23 = arith.constant 0 : index
    %get3A_24 = vector.load %arg5[%get3A_22, %get3A_23] : memref<128x128xf32, #tpu.memory_space<vmem>>, vector<128x128xf32>
    %dot_general3A = arith.constant dense<0.000000e+00> : vector<2000x128xf32>
    %dot_general3A_25 = tpu.matmul %max3A_21, %get3A_24, %dot_general3A {dimension_numbers = #tpu.dot_dimension_numbers<[1], [0], [0], [1], [0, 0, 1, 1], [], []>, precision = #tpu.contract_precision<fp32>, transpose_lhs_hint = false} : vector<2000x128xf32>, vector<128x128xf32>, vector<2000x128xf32> -> vector<2000x128xf32>
    %mul3A_26 = vector.broadcast %get3A_1 : vector<2000x1xf32> to vector<2000x128xf32>
    %mul3A_27 = arith.mulf %dot_general3A_25, %mul3A_26 : vector<2000x128xf32>
    %swap3A = arith.constant 0 : index
    %swap3A_28 = arith.constant 0 : index
    %swap3A_29 = vector.load %arg6[%swap3A, %swap3A_28] : memref<2000x128xf32, #tpu.memory_space<vmem>>, vector<2000x128xf32>
    tpu.vector_store %arg6[%swap3A, %swap3A_28], %mul3A_27 {strides = array<i32>} : memref<2000x128xf32, #tpu.memory_space<vmem>>, vector<2000x128xf32>,
    return
  }
  func.func @transform_0(%arg0: i32) -> (i32, i32, i32) {
    %c0_i32 = arith.constant 0 : i32
    %c0_i32_0 = arith.constant 0 : i32
    %c0_i32_1 = arith.constant 0 : i32
    return %c0_i32, %arg0, %c0_i32_0 : i32, i32, i32
  }
  func.func @transform_1(%arg0: i32) -> (i32, i32) {
    %c0_i32 = arith.constant 0 : i32
    %c0_i32_0 = arith.constant 0 : i32
    return %arg0, %c0_i32 : i32, i32
  }
  func.func @transform_2(%arg0: i32) -> (i32, i32) {
    %c0_i32 = arith.constant 0 : i32
    %c0_i32_0 = arith.constant 0 : i32
    return %arg0, %c0_i32 : i32, i32
  }
  func.func @transform_3(%arg0: i32) -> i32 {
    %c0_i32 = arith.constant 0 : i32
    %c0_i32_0 = arith.constant 0 : i32
    return %c0_i32 : i32
  }
  func.func @transform_4(%arg0: i32) -> (i32, i32) {
    %c0_i32 = arith.constant 0 : i32
    %c0_i32_0 = arith.constant 0 : i32
    %c0_i32_1 = arith.constant 0 : i32
    return %c0_i32, %c0_i32_0 : i32, i32
  }
  func.func @transform_5(%arg0: i32) -> (i32, i32) {
    %c0_i32 = arith.constant 0 : i32
    %c0_i32_0 = arith.constant 0 : i32
    return %arg0, %c0_i32 : i32, i32
  }
}

module attributes {stable_mosaic.version = 14 : i64} {
  func.func @_mm_scale_body(%arg0: i32, %arg1: memref<2x2000x16xf32, #tpu.memory_space<vmem>>, %arg2: memref<2000x128xf32, #tpu.memory_space<vmem>>, %arg3: memref<128x128xf32, #tpu.memory_space<vmem>>, %arg4: memref<2000x1xf32, #tpu.memory_space<vmem>>, %arg5: memref<2000x128xf32, #tpu.memory_space<vmem>>) attributes {dimension_semantics = [#tpu.dimension_semantics<arbitrary>], iteration_bounds = array<i64: 5>, scalar_prefetch = 0 : i64, scratch_operands = 0 : i64, tpu.core_type = #tpu.core_type<tc>, window_params = [{transform_indices = @transform_0, window_bounds = array<i64: 2, 2000, 16>}, {transform_indices = @transform_1, window_bounds = array<i64: 2000, 128>}, {pipeline_mode = #tpu.pipeline_mode<synchronous>, transform_indices = @transform_2, window_bounds = array<i64: 128, 128>}, {transform_indices = @transform_3, window_bounds = array<i64: 2000, 1>}, {transform_indices = @transform_4, window_bounds = array<i64: 2000, 128>}]} {
    %get3A = arith.constant 0 : index
    %get3A_0 = arith.constant 0 : index
    %get3A_1 = vector.load %arg2[%get3A, %get3A_0] : memref<2000x128xf32, #tpu.memory_space<vmem>>, vector<2000x128xf32>
    %get3A_2 = arith.constant 0 : index
    %get3A_3 = arith.constant 0 : index
    %get3A_4 = vector.load %arg3[%get3A_2, %get3A_3] : memref<128x128xf32, #tpu.memory_space<vmem>>, vector<128x128xf32>
    %dot_general3A = arith.constant dense<0.000000e+00> : vector<2000x128xf32>
    %dot_general3A_5 = tpu.matmul %get3A_1, %get3A_4, %dot_general3A {dimension_numbers = #tpu.dot_dimension_numbers<[1], [0], [0], [1], [0, 0, 1, 1], [], []>, precision = #tpu.contract_precision<fp32>, transpose_lhs_hint = false} : vector<2000x128xf32>, vector<128x128xf32>, vector<2000x128xf32> -> vector<2000x128xf32>
    %get3A_6 = arith.constant 0 : index
    %get3A_7 = arith.constant 0 : index
    %get3A_8 = arith.constant 0 : index
    %get3A_9 = vector.load %arg1[%get3A_6, %get3A_7, %get3A_8] : memref<2x2000x16xf32, #tpu.memory_space<vmem>>, vector<1x2000x1xf32>
    %get3A_10 = vector.shape_cast %get3A_9 : vector<1x2000x1xf32> to vector<2000x1xf32>
    %get3A_11 = arith.constant 1 : index
    %get3A_12 = arith.constant 0 : index
    %get3A_13 = arith.constant 0 : index
    %get3A_14 = vector.load %arg1[%get3A_11, %get3A_12, %get3A_13] : memref<2x2000x16xf32, #tpu.memory_space<vmem>>, vector<1x2000x1xf32>
    %get3A_15 = vector.shape_cast %get3A_14 : vector<1x2000x1xf32> to vector<2000x1xf32>
    %add3A = arith.addf %get3A_10, %get3A_15 : vector<2000x1xf32>
    %sub3A = arith.constant 1.000000e+00 : f32
    %sub3A_16 = vector.broadcast %sub3A : f32 to vector<2000x1xf32>
    %sub3A_17 = arith.subf %add3A, %sub3A_16 : vector<2000x1xf32>
    %rsqrt3A = math.rsqrt %sub3A_17 : vector<2000x1xf32>
    %swap3A = arith.constant 0 : index
    %swap3A_18 = arith.constant 0 : index
    %swap3A_19 = vector.load %arg4[%swap3A, %swap3A_18] : memref<2000x1xf32, #tpu.memory_space<vmem>>, vector<2000x1xf32>
    tpu.vector_store %arg4[%swap3A, %swap3A_18], %rsqrt3A {strides = array<i32>} : memref<2000x1xf32, #tpu.memory_space<vmem>>, vector<2000x1xf32>,
    %mul3A = vector.broadcast %rsqrt3A : vector<2000x1xf32> to vector<2000x128xf32>
    %mul3A_20 = arith.mulf %dot_general3A_5, %mul3A : vector<2000x128xf32>
    %swap3A_21 = arith.constant 0 : index
    %swap3A_22 = arith.constant 0 : index
    %swap3A_23 = vector.load %arg5[%swap3A_21, %swap3A_22] : memref<2000x128xf32, #tpu.memory_space<vmem>>, vector<2000x128xf32>
    tpu.vector_store %arg5[%swap3A_21, %swap3A_22], %mul3A_20 {strides = array<i32>} : memref<2000x128xf32, #tpu.memory_space<vmem>>, vector<2000x128xf32>,
    return
  }
  func.func @transform_0(%arg0: i32) -> (i32, i32, i32) {
    %c0_i32 = arith.constant 0 : i32
    %c0_i32_0 = arith.constant 0 : i32
    %c0_i32_1 = arith.constant 0 : i32
    return %c0_i32, %arg0, %c0_i32_0 : i32, i32, i32
  }
  func.func @transform_1(%arg0: i32) -> (i32, i32) {
    %c0_i32 = arith.constant 0 : i32
    %c0_i32_0 = arith.constant 0 : i32
    return %arg0, %c0_i32 : i32, i32
  }
  func.func @transform_2(%arg0: i32) -> (i32, i32) {
    %c0_i32 = arith.constant 0 : i32
    %c0_i32_0 = arith.constant 0 : i32
    %c0_i32_1 = arith.constant 0 : i32
    return %c0_i32, %c0_i32_0 : i32, i32
  }
  func.func @transform_3(%arg0: i32) -> (i32, i32) {
    %c0_i32 = arith.constant 0 : i32
    %c0_i32_0 = arith.constant 0 : i32
    return %arg0, %c0_i32 : i32, i32
  }
  func.func @transform_4(%arg0: i32) -> (i32, i32) {
    %c0_i32 = arith.constant 0 : i32
    %c0_i32_0 = arith.constant 0 : i32
    return %arg0, %c0_i32 : i32, i32
  }
}

module attributes {stable_mosaic.version = 14 : i64} {
  func.func @_post_body(%arg0: i32, %arg1: memref<2x2000x128xf32, #tpu.memory_space<vmem>>, %arg2: memref<2000x128xf32, #tpu.memory_space<vmem>>, %arg3: memref<2000x1xf32, #tpu.memory_space<vmem>>, %arg4: memref<128xf32, #tpu.memory_space<vmem>>, %arg5: memref<2000x128xf32, #tpu.memory_space<vmem>>) attributes {dimension_semantics = [#tpu.dimension_semantics<arbitrary>], iteration_bounds = array<i64: 5>, scalar_prefetch = 0 : i64, scratch_operands = 0 : i64, tpu.core_type = #tpu.core_type<tc>, window_params = [{transform_indices = @transform_0, window_bounds = array<i64: 2, 2000, 128>}, {transform_indices = @transform_1, window_bounds = array<i64: 2000, 128>}, {transform_indices = @transform_2, window_bounds = array<i64: 2000, 1>}, {pipeline_mode = #tpu.pipeline_mode<synchronous>, transform_indices = @transform_3, window_bounds = array<i64: 128>}, {transform_indices = @transform_4, window_bounds = array<i64: 2000, 128>}]} {
    %get3A = arith.constant 0 : index
    %get3A_0 = arith.constant 0 : index
    %get3A_1 = vector.load %arg3[%get3A, %get3A_0] : memref<2000x1xf32, #tpu.memory_space<vmem>>, vector<2000x1xf32>
    %get3A_2 = arith.constant 0 : index
    %get3A_3 = arith.constant 0 : index
    %get3A_4 = arith.constant 0 : index
    %get3A_5 = vector.load %arg1[%get3A_2, %get3A_3, %get3A_4] : memref<2x2000x128xf32, #tpu.memory_space<vmem>>, vector<1x2000x128xf32>
    %get3A_6 = vector.shape_cast %get3A_5 : vector<1x2000x128xf32> to vector<2000x128xf32>
    %get3A_7 = arith.constant 1 : index
    %get3A_8 = arith.constant 0 : index
    %get3A_9 = arith.constant 0 : index
    %get3A_10 = vector.load %arg1[%get3A_7, %get3A_8, %get3A_9] : memref<2x2000x128xf32, #tpu.memory_space<vmem>>, vector<1x2000x128xf32>
    %get3A_11 = vector.shape_cast %get3A_10 : vector<1x2000x128xf32> to vector<2000x128xf32>
    %add3A = arith.addf %get3A_6, %get3A_11 : vector<2000x128xf32>
    %get3A_12 = arith.constant 0 : index
    %get3A_13 = arith.constant 0 : index
    %get3A_14 = vector.load %arg2[%get3A_12, %get3A_13] : memref<2000x128xf32, #tpu.memory_space<vmem>>, vector<2000x128xf32>
    %sub3A = arith.subf %add3A, %get3A_14 : vector<2000x128xf32>
    %mul3A = vector.broadcast %get3A_1 : vector<2000x1xf32> to vector<2000x128xf32>
    %mul3A_15 = arith.mulf %mul3A, %sub3A : vector<2000x128xf32>
    %get3A_16 = arith.constant 0 : index
    %get3A_17 = vector.load %arg4[%get3A_16] : memref<128xf32, #tpu.memory_space<vmem>>, vector<128xf32>
    %broadcast_in_dim3A = vector.shape_cast %get3A_17 : vector<128xf32> to vector<1x128xf32>
    %add3A_18 = vector.broadcast %broadcast_in_dim3A : vector<1x128xf32> to vector<2000x128xf32>
    %add3A_19 = arith.addf %mul3A_15, %add3A_18 : vector<2000x128xf32>
    %swap3A = arith.constant 0 : index
    %swap3A_20 = arith.constant 0 : index
    %swap3A_21 = vector.load %arg5[%swap3A, %swap3A_20] : memref<2000x128xf32, #tpu.memory_space<vmem>>, vector<2000x128xf32>
    tpu.vector_store %arg5[%swap3A, %swap3A_20], %add3A_19 {strides = array<i32>} : memref<2000x128xf32, #tpu.memory_space<vmem>>, vector<2000x128xf32>,
    return
  }
  func.func @transform_0(%arg0: i32) -> (i32, i32, i32) {
    %c0_i32 = arith.constant 0 : i32
    %c0_i32_0 = arith.constant 0 : i32
    %c0_i32_1 = arith.constant 0 : i32
    return %c0_i32, %arg0, %c0_i32_0 : i32, i32, i32
  }
  func.func @transform_1(%arg0: i32) -> (i32, i32) {
    %c0_i32 = arith.constant 0 : i32
    %c0_i32_0 = arith.constant 0 : i32
    return %arg0, %c0_i32 : i32, i32
  }
  func.func @transform_2(%arg0: i32) -> (i32, i32) {
    %c0_i32 = arith.constant 0 : i32
    %c0_i32_0 = arith.constant 0 : i32
    return %arg0, %c0_i32 : i32, i32
  }
  func.func @transform_3(%arg0: i32) -> i32 {
    %c0_i32 = arith.constant 0 : i32
    %c0_i32_0 = arith.constant 0 : i32
    return %c0_i32 : i32
  }
  func.func @transform_4(%arg0: i32) -> (i32, i32) {
    %c0_i32 = arith.constant 0 : i32
    %c0_i32_0 = arith.constant 0 : i32
    return %arg0, %c0_i32 : i32, i32
  }
}

</mosaic_0001>

<sc_bundles>
// kernel: _run.11.cloned.1.call-start
scs
__scs_entry_jumppad:
0x0: {  	(pc) =	sbr.rel $0x88, $3  }
0x1: {  	(tag) =	ssettag $0x0;
	lr =	simm.s32 $0x1  }
0x2: {  	[smem:$0x3F9B] =	sst lr;
	_ =	strace $0xD0000000  }
0x3: {  	_ = 	snop  }
0x4: {  	_ = 	snop  }
0x5: {  	_ = 	snop  }
0x6: {  	_ = 	snop  }
0x7: {  	_ = 	snop  }
__scs_overlays_trampoline_lowered:
0x8: {  	[smem:$0x3FAA] =	sst s0  }
0x9: {  	[smem:$0x3FAB] =	sst s1  }
0xa: {  	[smem:$0x3FAC] =	sst s2  }
0xb: {  	[smem:$0x3FAD] =	sst s3  }
0xc: {  	[smem:$0x3FAE] =	sst s4  }
0xd: {  	[smem:$0x3FAF] =	sst s5  }
0xe: {  	[smem:$0x3FB0] =	sst s6  }
0xf: {  	[smem:$0x3FB1] =	sst s7  }
0x10: {  	[smem:$0x3FB2] =	sst s8  }
0x11: {  	[smem:$0x3FB3] =	sst s9;
	s0 =	simm.s32 @!p0 $0x0  }
0x12: {  	s1 =	sld [smem:$0x3F99];
	s0 =	simm.s32 @p0 $0x1  }
0x13: {  	[smem:$0x3FB4] =	sst s0;
	s0 =	simm.s32 @!p1 $0x0  }
0x14: {  	s2 =	sld [smem:$0x3F98];
	s0 =	simm.s32 @p1 $0x1  }
0x15: {  	[smem:$0x3FB5] =	sst s0;
	s0 =	simm.s32 @!p2 $0x0  }
0x16: {  	s3 =	sld [smem:$0x3FDB];
	s0 =	simm.s32 @p2 $0x1  }
0x17: {  	s4 =	simm.s32 $0x1BF5;
	[smem:$0x3FB7] =	sst s0  }
0x18: {  	s0 =	sld [smem:$0x3F9A];
	_ =	swait.ge [sflag:s4], $0x0  }
0x19: {  	s7 =	sld [smem:$0x3F9B]  }
0x1a: {  	s8 =	sadd.s32 $0xFFFFE003, lr  }
0x1b: {  	s9 =	sadd.s32 $0xFFFFFEF7, lr;
	s5 =	simm.s32 $0xFFFFFFFF;
	p2 =	slt.u32 s8, $0xFFFFF086  }
0x1c: {  	p1 =	slt.u32 s9, $0xF7A;
	s5 =	simm.s32 @!p2 $0x0  }
0x1d: {  	s5 =	simm.s32 @p1 $0x1;
	p0 =	seq.s32 s7, s2  }
0x1e: {  	s7 =	smul.u32 @!p0 $0xF7A, s2;
	p2 =	seq.s32 @!p0 s5, $0x0  }
0x1f: {  	s9 =	smul.u32 $0xF7A, s1;
	s8 =	simm.s32 @!p0 $0x1BF5;
	p2 =	por !p2, p0  }
0x20: {  	[sflag:s8] =	ssyncset.s32 @!p0 $0xFFFFF086;
	s6 =	sadd.s32 @!p0 s3, s7;
	s7 =	simm.s32 @!p0 $0x108  }
0x21: {  	s3 =	sadd.s32 s3, s9;
	s6 =	sadd.s32 @!p0 $0x88, s6;
	s7 =	simm.s32 @p2 $0x1082  }
0x22: {  	[simem:s7], [sflag:s8] =	dma.local @!p0 [hbm:s6], $0xF7A  }
0x23: {  	s9 =	sor.u32 $0xD0000000, s2;
	s6 =	simm.s32 $0x108;
	_ =	swait.ge @!p0 [sflag:s8], $0x0  }
0x24: {  	s3 =	sadd.s32 $0x88, s3;
	s6 =	simm.s32 @!p1 $0x1082;
	[sflag:s4] =	ssyncset.s32 $0xFFFFF086  }
0x25: {  	[simem:s6], [sflag:s4] =	dma.local [hbm:s3], $0xF7A  }
0x26: {  	[smem:$0x3F9B] =	sst s1;
	(tag) =	ssettag s2;
	_ =	strace s9  }
0x27: {  	s1 =	sld [smem:$0x3FAB]  }
0x28: {  	s2 =	sld [smem:$0x3FAC]  }
0x29: {  	s4 =	sld [smem:$0x3FAE]  }
0x2a: {  	p0 =	seq.s32 s5, $0x0;
	s5 =	sld [smem:$0x3FAF]  }
0x2b: {  	s6 =	sld [smem:$0x3FB0]  }
0x2c: {  	s7 =	sld [smem:$0x3FB1]  }
0x2d: {  	s3 =	simm.s32 $0x108;
	s8 =	sld [smem:$0x3FB2]  }
0x2e: {  	s3 =	simm.s32 @!p0 $0x1082;
	s9 =	sld [smem:$0x3FB3]  }
0x2f: {  	lr =	sadd.s32 s0, s3;
	s0 =	sld [smem:$0x3FAA]  }
0x30: {  	s3 =	sld [smem:$0x3FAD]  }
0x31: {  	[smem:$0x3FB6] =	sst s10  }
0x32: {  	s10 =	sld [smem:$0x3FB4];
	_ =	sdelay $0x3  }
0x33: {  	p0 =	seq.s32 s10, $0x1;
	s10 =	sld [smem:$0x3FB6];
	_ =	sdelay $0x3  }
0x34: {  	[smem:$0x3FB6] =	sst s10  }
0x35: {  	s10 =	sld [smem:$0x3FB5];
	_ =	sdelay $0x3  }
0x36: {  	p1 =	seq.s32 s10, $0x1;
	s10 =	sld [smem:$0x3FB6];
	_ =	sdelay $0x3  }
0x37: {  	[smem:$0x3FB6] =	sst s10  }
0x38: {  	s10 =	sld [smem:$0x3FB7]  }
0x39: {  	_ = 	snop;
	(pc) =	sbr.ind lr, $3  }
0x3a: {  	_ = 	snop  }
0x3b: {  	_ = 	snop  }
0x3c: {  	p2 =	seq.s32 s10, $0x1;
	s10 =	sld [smem:$0x3FB6]  }
0x3d: {  	_ =	shalt  }
0x3e: {  	_ =	shalt  }
0x3f: {  	_ =	shalt  }
0x40: {  	_ =	shalt  }
0x41: {  	_ =	shalt  }
0x42: {  	_ =	shalt  }
0x43: {  	_ =	shalt  }
0x44: {  	_ =	shalt  }
0x45: {  	_ =	shalt  }
0x46: {  	_ =	shalt  }
0x47: {  	_ =	shalt  }
0x48: {  	_ =	shalt  }
0x49: {  	_ =	shalt  }
0x4a: {  	_ =	shalt  }
0x4b: {  	_ =	shalt  }
0x4c: {  	_ =	shalt  }
0x4d: {  	_ =	shalt  }
0x4e: {  	_ =	shalt  }
0x4f: {  	_ =	shalt  }
0x50: {  	_ =	shalt  }
0x51: {  	_ =	shalt  }
0x52: {  	_ =	shalt  }
0x53: {  	_ =	shalt  }
0x54: {  	_ =	shalt  }
0x55: {  	_ =	shalt  }
0x56: {  	_ =	shalt  }
0x57: {  	_ =	shalt  }
0x58: {  	_ =	shalt  }
0x59: {  	_ =	shalt  }
0x5a: {  	_ =	shalt  }
0x5b: {  	_ =	shalt  }
0x5c: {  	_ =	shalt  }
0x5d: {  	_ =	shalt  }
0x5e: {  	_ =	shalt  }
0x5f: {  	_ =	shalt  }
0x60: {  	_ =	shalt  }
0x61: {  	_ =	shalt  }
0x62: {  	_ =	shalt  }
0x63: {  	_ =	shalt  }
0x64: {  	_ =	shalt  }
0x65: {  	_ =	shalt  }
0x66: {  	_ =	shalt  }
0x67: {  	_ =	shalt  }
0x68: {  	_ =	shalt  }
0x69: {  	_ =	shalt  }
0x6a: {  	_ =	shalt  }
0x6b: {  	_ =	shalt  }
0x6c: {  	_ =	shalt  }
0x6d: {  	_ =	shalt  }
0x6e: {  	_ =	shalt  }
0x6f: {  	_ =	shalt  }
0x70: {  	_ =	shalt  }
0x71: {  	_ =	shalt  }
0x72: {  	_ =	shalt  }
0x73: {  	_ =	shalt  }
0x74: {  	_ =	shalt  }
0x75: {  	_ =	shalt  }
0x76: {  	_ =	shalt  }
0x77: {  	_ =	shalt  }
0x78: {  	_ =	shalt  }
0x79: {  	_ =	shalt  }
0x7a: {  	_ =	shalt  }
0x7b: {  	_ =	shalt  }
0x7c: {  	_ =	shalt  }
0x7d: {  	_ =	shalt  }
0x7e: {  	_ =	shalt  }
0x7f: {  	_ =	shalt  }
0x80: {  	_ =	shalt  }
0x81: {  	_ =	shalt  }
0x82: {  	_ =	shalt  }
0x83: {  	_ =	shalt  }
0x84: {  	_ =	shalt  }
0x85: {  	_ =	shalt  }
0x86: {  	_ =	shalt  }
0x87: {  	_ =	shalt  }
.Lfunc_end0:
.L_simem_size_0:
called_computation.1_lowered:
.L_overlay_start_0:
0x88: {  	s2 =	sld [smem:$0x3FD9]  }
0x89: {  	s3 =	sld [smem:$0x3FFE];
	_ =	sdelay $0x1  }
0x8a: {  	s1 =	srdreg.scid  }
0x8b: {  	s0 =	sand.u32 $0x1, s1  }
0x8c: {  	s17 =	sshll.u32 s0, $0xA;
	s2 =	sadd.s32 s3, s2  }
0x8d: {  	s2 =	sadd.s32 s2, s17  }
0x8e: {  	[smem:$0x3FC2] =	sst s2  }
0x8f: {  	_ = 	snop  }
0x90: {  	s2 =	sld [smem:$0x3FD0];
	(tm) =	ssettm $0x1  }
0x91: {  	s18 =	sld [smem:$0x3FFB];
	_ =	sdelay $0x3  }
0x92: {  	_ =	strace s18  }
0x93: {  	s3 =	sld [smem:$0x3FFC];
	_ =	sdelay $0x3  }
0x94: {  	_ =	strace s3  }
0x95: {  	s3 =	sld [smem:$0x3FFD];
	_ =	sdelay $0x3  }
0x96: {  	_ =	strace s3  }
0x97: {  	_ =	strace $0x8FFFFFFF  }
0x98: {  	s19 =	sld [smem:$0x3FDB];
	_ =	sdelay $0x1  }
0x99: {  	s4 =	simm.s32 $_scs_section_size  }
0x9a: {  	s5 =	simm.s32 $_size__tile_overlayer_lowered;
	s6 =	simm.s32 $_tile_overlayer_lowered  }
0x9b: {  	s22 =	simm.s32 $0x1BFF;
	s21 =	sshll.u32 s6, $0x1;
	s3 =	sadd.s32 s4, s19  }
0x9c: {  	s7 =	simm.s32 $0x0;
	s20 =	sshll.u32 s5, $0x1;
	s5 =	sadd.s32 s21, s3  }
0x9d: {  	[timem:s7], [sflag:s22] =	dma.local [hbm:s5], s20  }
0x9e: {  	_ =	swait.ge [sflag:s22], s20  }
0x9f: {  	s4 =	ssub.s32 $0x0, s20;
	[sflag:s22] =	ssyncset.done $0x0  }
0xa0: {  	[sflag:s22] =	ssyncadd.s32 s4;
	_ =	sdelay $0x1  }
0xa1: {  	s23 =	simm.s32 $0x1B8B  }
0xa2: {  	_ =	swait.ge [sflag:s23], $0x1  }
0xa3: {  	[sflag:s23] =	ssyncset.done $0x0  }
0xa4: {  	s25 =	simm.s32 $0x1B8E;
	s24 =	sld [smem:$0x3FFE];
	[sflag:s23] =	ssyncadd.s32 $0xFFFFFFFF  }
0xa5: {  	s26 =	simm.s32 $execute0_lowered;
	[smem:$0x3FD2] =	sst s25  }
0xa6: {  	s5 =	sshll.u32 s26, $0x1;
	_ =	strace $0x80000049;
	[dreg:$0x1] =	wrdreg $0xFFFFFFFF  }
0xa7: {  	s28 =	simm.s32 $_size_execute0_lowered;
	s3 =	sadd.s32 s3, s5;
	[dreg:$0x0] =	wrdreg $0x0  }
0xa8: {  	s5 =	sshll.u32 s28, $0x1;
	[dreg:$0x2] =	wrdreg s3  }
0xa9: {  	[dreg:$0x3] =	wrdreg s5  }
0xaa: {  	[dreg:$0x4] =	wrdreg $0xC0  }
0xab: {  	_ =	task [dreg:s7], $0x5FFFF  }
0xac: {  	[dreg:$0x1] =	wrdreg $0xFFFFFFFF  }
0xad: {  	[dreg:$0x0] =	wrdreg $0x60  }
0xae: {  	[dreg:$0x2] =	wrdreg s2  }
0xaf: {  	[dreg:$0x3] =	wrdreg s24  }
0xb0: {  	[dreg:$0x4] =	wrdreg $0xC7000  }
0xb1: {  	[dreg:$0x5] =	wrdreg $0x9  }
0xb2: {  	_ =	task.clear_ibuf [dreg:s7], $0x6FFFF;
	_ =	strace $0x90000049  }
0xb3: {  	s29 =	simm.s32 $0x9;
	_ =	strace $0x8000004B  }
0xb4: {  	_ =	swait.ge [sflag:s29], $0x1  }
0xb5: {  	[sflag:s29] =	ssyncadd.s32 $0xFFFFFFFF  }
0xb6: {  	_ =	strace $0x9000004B  }
0xb7: {  	_ =	sfence  }
0xb8: {  	s30 =	sld [smem:$0x0];
	_ =	sdelay $0x2  }
0xb9: {  	s31 =	sshll.u32 s1, $0xD;
	s1 =	sshrl.u32 s1, $0x2  }
0xba: {  	s3 =	sand.u32 $0x4000, s31;
	s1 =	sadd.s32 s1, s30  }
0xbb: {  	s0 =	sor.u32 s3, s0;
	s1 =	sshll.u32 s1, $0x11  }
0xbc: {  	s0 =	sor.u32 s1, s0  }
0xbd: {  	s0 =	sadd.s32 $0x8F2B, s0  }
0xbe: {  	[sflag:s0] =	ssyncadd.remote.s32 $0x1  }
0xbf: {  	_ =	sfence.sel $0xFFFF  }
0xc0: {  	[dreg:$0x0] =	wrdreg $0xFFFFFFFF;
	(pc) =	sbr.abs _section_cstart, $3  }
0xc1: {  	[dreg:$0x1] =	wrdreg $0xFFFFFFFF  }
0xc2: {  	_ =	task.clear_ibuf [dreg:s7], $0x2FFFF;
	_ =	strace $0x9FFFFFFF  }
0xc3: {  	(tm) =	ssettm $0x7FFFFFFF  }
tec
execute0_lowered:
.L_overlay_start_1:
0x0: {  	(tag) =	ssettag $0x1  }
0x1: {  	s0 =	rddreg [dreg:$0x0]  }
0x2: {  	s1 =	srdreg.scid;
	s4 =	rddreg [dreg:$0x1]  }
0x3: {  	s12 =	stileid.u32;
	s2 =	rddreg [dreg:$0x2];
	s3 =	simm.s32 $0x0  }
0x4: {  	s16 =	simm.s32 $0x1;
	s17 =	simm.s32 $0x50;
	s18 =	simm.s32 $0x4F00  }
0x5: {  	s19 =	simm.s32 $0x7700;
	s20 =	simm.s32 $0x4;
	s21 =	simm.s32 $0x6  }
0x6: {  	s22 =	simm.s32 $0x9F00;
	s23 =	simm.s32 $0x3;
	s24 =	simm.s32 $0x5  }
0x7: {  	s6 =	sand.u32 $0x1, s1;
	s25 =	sshll.u32 s12, $0x1;
	s8 =	smul.u32 $0x4E000, s12  }
0x8: {  	[smem:$0x7FF] =	sst s3;
	s10 =	sadd.s32 $0x15C00, s4;
	s9 =	smul.u32 $0x13800, s12  }
0x9: {  	s31 =	sshll.u32 s12, $0x6;
	s15 =	sadd.s32 $0x138000, s2;
	p0 =	sne.s32 s12, $0x0  }
0xa: {  	s12 =	simm.s32 $0x2780;
	s5 =	sor.u32 s6, s25;
	_ =	strace $0x8000004A  }
0xb: {  	s7 =	ssub.s32 $0x2, s6;
	s29 =	smul.u32 $0x138800, s6;
	s15 =	sshrl.u32 @!p0 s15, $0x3  }
0xc: {  	s25 =	simm.s32 $0x2;
	s5 =	smul.u32 $0x4E2, s5;
	s26 =	sshrl.u32 s7, $0x1  }
0xd: {  	s28 =	sshrl.u32 s8, $0x2;
	s30 =	sshrl.u32 s9, $0x3;
	s8 =	sadd.s32 $0x27000, s0  }
0xe: {  	s11 =	ssub.s32 s7, s26;
	s13 =	sadd.s32 s28, s2;
	s6 =	sadd.s32 s0, s30  }
.Ltmp0:
0xf: {  	s7 =	sor.u32 $0x1C08, s31;
	s9 =	sadd.s32 s9, s29;
	(pc) =	sbr.rel .LBB2_1-.Ltmp0, $4  }
0x10: {  	s14 =	sshrl.u32 s29, $0x3;
	s26 =	simm.s32 $0x0;
	s5 =	sadd.s32 s5, s4  }
0x11: {  	s9 =	sshrl.u32 s9, $0x3;
	s11 =	smax.u32 s11, $0x1;
	s13 =	sshrl.u32 s13, $0x3  }
0x12: {  	s4 =	sadd.s32 $0x2000, s5;
	s9 =	sadd.s32 s10, s9;
	s10 =	sadd.s32 s10, s14  }
0x13: {  	s5 =	sadd.s32 $0xBE00, s5;
	s14 =	simm.s32 $0x8;
	s10 =	sadd.s32 $0x27000, s10  }
.LBB2_8:
0x14: {  	_ =	swait.ge [sflag:s21], $0x2800  }
0x15: {  	[sflag:s21] =	ssyncset.done $0x0  }
0x16: {  	[sflag:s21] =	ssyncadd.s32 $0xFFFFD800  }
0x17: {  	[bflag:$0x0] =	sbarrier.arrive $0xFFFF  }
0x18: {  	[hbm:s9], [sflag:s7] =	dma.local [spmem:s13], $0x2700  }
0x19: {  	s26 =	sadd.s32 $0x1, s26;
	_ =	swait.ge [sflag:s14], $0x2700  }
0x1a: {  	p1 =	sne.s32 s26, s11;
	[sflag:s14] =	ssyncset.done $0x0  }
.Ltmp1:
0x1b: {  	s1 =	simm.s32 @!p0 $0x8;
	[sflag:s14] =	ssyncadd.s32 $0xFFFFD900;
	(pc) =	sbr.rel @!p1 .LBB2_9-.Ltmp1, $4  }
0x1c: {  	[hbm:s10], [sflag:s7] =	dma.local @!p0 [spmem:s15], $0x100  }
0x1d: {  	_ =	swait.ge @!p0 [sflag:s1], $0x100  }
0x1e: {  	[sflag:s1] =	ssyncset.done @!p0 $0x0  }
0x1f: {  	[sflag:s1] =	ssyncadd.s32 @!p0 $0xFFFFFF00  }
.LBB2_1:
0x20: {  	[tilespmem:s3], [sflag:$0x1] =	stream.linear.gather [hbm4b:s4+s3], $0x2710, $0x38;
	[tilespmem:$0x1FF80] =	vst v63  }
0x21: {  	_ = 	snop  }
0x22: {  	[tilespmem:s12], [sflag:$0x1] =	stream.linear.gather [hbm4b:s5+s3], $0x2710, $0x38;
	[tilespmem:$0x1FF80] =	vst v63  }
0x23: {  	[spmem:s13], [sflag:s7] =	dma.local [hbm:s6], $0x2700  }
0x24: {  	_ =	swait.ge [sflag:s14], $0x2700  }
0x25: {  	[sflag:s14] =	ssyncset.done $0x0  }
0x26: {  	s28 =	simm.s32 @!p0 $0x8;
	[sflag:s14] =	ssyncadd.s32 $0xFFFFD900  }
0x27: {  	[spmem:s15], [sflag:s7] =	dma.local @!p0 [hbm:s8], $0x100  }
0x28: {  	_ =	swait.ge @!p0 [sflag:s28], $0x100  }
0x29: {  	[sflag:s28] =	ssyncset.done @!p0 $0x0  }
0x2a: {  	[sflag:s28] =	ssyncadd.s32 @!p0 $0xFFFFFF00  }
0x2b: {  	_ =	swait.ge [sflag:s16], $0x2710  }
0x2c: {  	[sflag:s16] =	ssyncset.done $0x0  }
0x2d: {  	[sflag:s16] =	ssyncadd.s32 $0xFFFFD8F0  }
0x2e: {  	_ =	swait.ge [sflag:s16], $0x2710  }
0x2f: {  	[sflag:s16] =	ssyncset.done $0x0  }
.Ltmp2:
0x30: {  	[sflag:s16] =	ssyncadd.s32 $0xFFFFD8F0;
	(pc) =	sbr.rel .LBB2_2-.Ltmp2, $4  }
0x31: {  	[bflag:$0x0] =	sbarrier.arrive $0xFFFF  }
0x32: {  	[tilespmem:s18], [sflag:$0x2] =	stream.indirect.gather [hbm4b:s0+s17], $0x80, s3, s17, $0xb8;
	[tilespmem:$0x1FF80] =	vst v63  }
0x33: {  	s29 =	simm.s32 $0x2780;
	s30 =	simm.s32 $0x0;
	s28 =	simm.s32 $0xA0  }
0x34: {  	[tilespmem:s19], [sflag:$0x3] =	stream.indirect.gather [hbm4b:s0+s17], $0x80, s17, s17, $0xb8;
	[tilespmem:$0x1FF80] =	vst v63  }
.LBB2_6:
0x35: {  	_ =	swait.ge [sflag:s20], $0x2800  }
0x36: {  	[sflag:s20] =	ssyncset.done $0x0  }
0x37: {  	[sflag:s20] =	ssyncadd.s32 $0xFFFFD800  }
0x38: {  	_ =	swait.ge [sflag:s21], $0x2800  }
0x39: {  	p1 =	sgt.u32 s30, $0x7A;
	[sflag:s21] =	ssyncset.done $0x0  }
0x3a: {  	s1 =	simm.s32 @!p1 $0x50;
	s31 =	simm.s32 @!p1 $0x7700;
	[sflag:s21] =	ssyncadd.s32 $0xFFFFD800  }
0x3b: {  	[tilespmem:s31], [sflag:$0x3] =	stream.indirect.gather @!p1 [hbm4b:s0+s1], $0x80, s28, s1, $0xb8;
	[tilespmem:$0x1FF80] =	vst v63  }
0x3c: {  	_ = 	snop  }
0x3d: {  	[spmem:s2] =	stream.indirect.scatter.add.f32 [tilespmem:s22], [sflag:$0x7], $0x80, s29, s17, $0xb8;
	[tilespmem:$0x1FF80] =	vst v63  }
.LBB2_7:
0x3e: {  	s30 =	sadd.s32 $0x1, s30  }
0x3f: {  	p1 =	sne.s32 s30, $0x7D  }
.Ltmp3:
0x40: {  	_ = 	snop;
	(pc) =	sbr.rel @!p1 .LBB2_8-.Ltmp3, $2  }
0x41: {  	_ =	sdelay $0x2  }
0x42: {  	s29 =	sadd.s32 $0x50, s29;
	s28 =	sadd.s32 $0x50, s28  }
.LBB2_2:
0x43: {  	s31 =	smul.u32 $0xAB, s30;
	_ =	sdelay $0x1  }
0x44: {  	s31 =	sshrl.u32 s31, $0x9  }
0x45: {  	s31 =	sand.u32 $0x7F, s31  }
0x46: {  	s31 =	smul.u32 $0x3, s31;
	_ =	sdelay $0x1  }
0x47: {  	s31 =	ssub.s32 s30, s31  }
0x48: {  	s31 =	sand.u32 $0xFF, s31  }
0x49: {  	p1 =	seq.s32 s31, $0x2  }
.Ltmp4:
0x4a: {  	_ = 	snop;
	(pc) =	sbr.rel @p1 .LBB2_6-.Ltmp4, $1  }
0x4b: {  	_ =	sdelay $0x3  }
0x4c: {  	p1 =	seq.s32 s31, $0x1  }
.Ltmp5:
0x4d: {  	_ = 	snop;
	(pc) =	sbr.rel @!p1 .LBB2_4-.Ltmp5, $1  }
0x4e: {  	_ =	sdelay $0x3  }
0x4f: {  	_ =	swait.ge [sflag:s23], $0x2800  }
0x50: {  	[sflag:s23] =	ssyncset.done $0x0  }
0x51: {  	[sflag:s23] =	ssyncadd.s32 $0xFFFFD800  }
0x52: {  	_ =	swait.ge [sflag:s24], $0x2800  }
.Ltmp6:
0x53: {  	p1 =	sgt.u32 s30, $0x7A;
	[sflag:s24] =	ssyncset.done $0x0;
	(pc) =	sbr.rel .LBB2_7-.Ltmp6, $4  }
0x54: {  	s31 =	simm.s32 @!p1 $0x50;
	s1 =	simm.s32 @!p1 $0x4F00;
	[sflag:s24] =	ssyncadd.s32 $0xFFFFD800  }
0x55: {  	[tilespmem:s1], [sflag:$0x2] =	stream.indirect.gather @!p1 [hbm4b:s0+s31], $0x80, s28, s31, $0xb8;
	[tilespmem:$0x1FF80] =	vst v63  }
0x56: {  	_ = 	snop  }
0x57: {  	[spmem:s2] =	stream.indirect.scatter.add.f32 [tilespmem:s19], [sflag:$0x6], $0x80, s29, s17, $0xb8;
	[tilespmem:$0x1FF80] =	vst v63  }
.LBB2_4:
0x58: {  	_ =	swait.ge [sflag:s25], $0x2800  }
0x59: {  	p1 =	seq.s32 s30, $0x0;
	[sflag:s25] =	ssyncset.done $0x0  }
0x5a: {  	s31 =	simm.s32 @!p1 $0x7;
	[sflag:s25] =	ssyncadd.s32 $0xFFFFD800  }
0x5b: {  	_ =	swait.ge @!p1 [sflag:s31], $0x2800  }
.Ltmp7:
0x5c: {  	p2 =	sgt.u32 @!p1 s30, $0x7A;
	[sflag:s31] =	ssyncset.done @!p1 $0x0;
	(pc) =	sbr.rel .LBB2_7-.Ltmp7, $4  }
0x5d: {  	p2 =	por p1, !p2;
	[sflag:s31] =	ssyncadd.s32 @!p1 $0xFFFFD800  }
0x5e: {  	[tilespmem:s22], [sflag:$0x4] =	stream.indirect.gather @p2 [hbm4b:s0+s17], $0x80, s28, s17, $0xb8;
	[tilespmem:$0x1FF80] =	vst v63  }
0x5f: {  	_ = 	snop  }
0x60: {  	[spmem:s2] =	stream.indirect.scatter.add.f32 [tilespmem:s18], [sflag:$0x5], $0x80, s29, s17, $0xb8;
	[tilespmem:$0x1FF80] =	vst v63  }
.LBB2_9:
0x61: {  	_ =	sfence.sel $0x180000  }
0x62: {  	[bflag:$0x0] =	sbarrier.arrive $0xFFFF  }
0x63: {  	_ =	strace $0x9000004A  }
0x64: {  	[bflag:$0x2] =	sbarrier.arrive $0xFFFF  }
0x65: {  	s0 =	rddreg [dreg:$0x3]  }
0x66: {  	s0 =	sadd.s32 @!p0 $0x100000, s0  }
0x67: {  	[sflag:s0] =	ssyncadd.tile.s32 @!p0 $0x1;
	_ =	shalt  }
.Lfunc_end2:
_tile_overlayer_lowered:
.L_overlay_start_2:
0x68: {  	(tag) =	ssettag $0x2  }
0x69: {  	s0 =	rddreg [dreg:$0x0];
	s2 =	stileid.u32  }
0x6a: {  	s1 =	rddreg [dreg:$0x1];
	p0 =	sne.s32 s2, $0x0  }
0x6b: {  	s3 =	rddreg [dreg:$0x2];
	[bflag:$0x3] =	sbarrier.arrive $0xFFFF;
	s2 =	simm.s32 @!p0 $0x1C08  }
0x6c: {  	[timem:s3], [sflag:s2] =	dma.local @!p0 [hbm:s0], s1  }
0x6d: {  	s0 =	simm.s32 @!p0 $0x8  }
0x6e: {  	_ =	swait.ge @!p0 [sflag:s0], s1  }
0x6f: {  	s1 =	ssub.s32 @!p0 $0x0, s1;
	[sflag:s0] =	ssyncset.done @!p0 $0x0  }
0x70: {  	[sflag:s0] =	ssyncadd.s32 @!p0 s1  }
0x71: {  	[bflag:$0x3] =	sbarrier.arrive $0xFFFF  }
0x72: {  	_ =	shalt  }

// kernel: _run.14.cloned.1.call-start
scs
__scs_entry_jumppad:
0x0: {  	(pc) =	sbr.rel $0x88, $3  }
0x1: {  	(tag) =	ssettag $0x0;
	lr =	simm.s32 $0x1  }
0x2: {  	[smem:$0x3F9B] =	sst lr;
	_ =	strace $0xD0000000  }
0x3: {  	_ = 	snop  }
0x4: {  	_ = 	snop  }
0x5: {  	_ = 	snop  }
0x6: {  	_ = 	snop  }
0x7: {  	_ = 	snop  }
__scs_overlays_trampoline_lowered:
0x8: {  	[smem:$0x3FAA] =	sst s0  }
0x9: {  	[smem:$0x3FAB] =	sst s1  }
0xa: {  	[smem:$0x3FAC] =	sst s2  }
0xb: {  	[smem:$0x3FAD] =	sst s3  }
0xc: {  	[smem:$0x3FAE] =	sst s4  }
0xd: {  	[smem:$0x3FAF] =	sst s5  }
0xe: {  	[smem:$0x3FB0] =	sst s6  }
0xf: {  	[smem:$0x3FB1] =	sst s7  }
0x10: {  	[smem:$0x3FB2] =	sst s8  }
0x11: {  	[smem:$0x3FB3] =	sst s9;
	s0 =	simm.s32 @!p0 $0x0  }
0x12: {  	s1 =	sld [smem:$0x3F99];
	s0 =	simm.s32 @p0 $0x1  }
0x13: {  	[smem:$0x3FB4] =	sst s0;
	s0 =	simm.s32 @!p1 $0x0  }
0x14: {  	s2 =	sld [smem:$0x3F98];
	s0 =	simm.s32 @p1 $0x1  }
0x15: {  	[smem:$0x3FB5] =	sst s0;
	s0 =	simm.s32 @!p2 $0x0  }
0x16: {  	s3 =	sld [smem:$0x3FDB];
	s0 =	simm.s32 @p2 $0x1  }
0x17: {  	s4 =	simm.s32 $0x1BF5;
	[smem:$0x3FB7] =	sst s0  }
0x18: {  	s0 =	sld [smem:$0x3F9A];
	_ =	swait.ge [sflag:s4], $0x0  }
0x19: {  	s7 =	sld [smem:$0x3F9B]  }
0x1a: {  	s8 =	sadd.s32 $0xFFFFE003, lr  }
0x1b: {  	s9 =	sadd.s32 $0xFFFFFEF7, lr;
	s5 =	simm.s32 $0xFFFFFFFF;
	p2 =	slt.u32 s8, $0xFFFFF086  }
0x1c: {  	p1 =	slt.u32 s9, $0xF7A;
	s5 =	simm.s32 @!p2 $0x0  }
0x1d: {  	s5 =	simm.s32 @p1 $0x1;
	p0 =	seq.s32 s7, s2  }
0x1e: {  	s7 =	smul.u32 @!p0 $0xF7A, s2;
	p2 =	seq.s32 @!p0 s5, $0x0  }
0x1f: {  	s9 =	smul.u32 $0xF7A, s1;
	s8 =	simm.s32 @!p0 $0x1BF5;
	p2 =	por !p2, p0  }
0x20: {  	[sflag:s8] =	ssyncset.s32 @!p0 $0xFFFFF086;
	s6 =	sadd.s32 @!p0 s3, s7;
	s7 =	simm.s32 @!p0 $0x108  }
0x21: {  	s3 =	sadd.s32 s3, s9;
	s6 =	sadd.s32 @!p0 $0x88, s6;
	s7 =	simm.s32 @p2 $0x1082  }
0x22: {  	[simem:s7], [sflag:s8] =	dma.local @!p0 [hbm:s6], $0xF7A  }
0x23: {  	s9 =	sor.u32 $0xD0000000, s2;
	s6 =	simm.s32 $0x108;
	_ =	swait.ge @!p0 [sflag:s8], $0x0  }
0x24: {  	s3 =	sadd.s32 $0x88, s3;
	s6 =	simm.s32 @!p1 $0x1082;
	[sflag:s4] =	ssyncset.s32 $0xFFFFF086  }
0x25: {  	[simem:s6], [sflag:s4] =	dma.local [hbm:s3], $0xF7A  }
0x26: {  	[smem:$0x3F9B] =	sst s1;
	(tag) =	ssettag s2;
	_ =	strace s9  }
0x27: {  	s1 =	sld [smem:$0x3FAB]  }
0x28: {  	s2 =	sld [smem:$0x3FAC]  }
0x29: {  	s4 =	sld [smem:$0x3FAE]  }
0x2a: {  	p0 =	seq.s32 s5, $0x0;
	s5 =	sld [smem:$0x3FAF]  }
0x2b: {  	s6 =	sld [smem:$0x3FB0]  }
0x2c: {  	s7 =	sld [smem:$0x3FB1]  }
0x2d: {  	s3 =	simm.s32 $0x108;
	s8 =	sld [smem:$0x3FB2]  }
0x2e: {  	s3 =	simm.s32 @!p0 $0x1082;
	s9 =	sld [smem:$0x3FB3]  }
0x2f: {  	lr =	sadd.s32 s0, s3;
	s0 =	sld [smem:$0x3FAA]  }
0x30: {  	s3 =	sld [smem:$0x3FAD]  }
0x31: {  	[smem:$0x3FB6] =	sst s10  }
0x32: {  	s10 =	sld [smem:$0x3FB4];
	_ =	sdelay $0x3  }
0x33: {  	p0 =	seq.s32 s10, $0x1;
	s10 =	sld [smem:$0x3FB6];
	_ =	sdelay $0x3  }
0x34: {  	[smem:$0x3FB6] =	sst s10  }
0x35: {  	s10 =	sld [smem:$0x3FB5];
	_ =	sdelay $0x3  }
0x36: {  	p1 =	seq.s32 s10, $0x1;
	s10 =	sld [smem:$0x3FB6];
	_ =	sdelay $0x3  }
0x37: {  	[smem:$0x3FB6] =	sst s10  }
0x38: {  	s10 =	sld [smem:$0x3FB7]  }
0x39: {  	_ = 	snop;
	(pc) =	sbr.ind lr, $3  }
0x3a: {  	_ = 	snop  }
0x3b: {  	_ = 	snop  }
0x3c: {  	p2 =	seq.s32 s10, $0x1;
	s10 =	sld [smem:$0x3FB6]  }
0x3d: {  	_ =	shalt  }
0x3e: {  	_ =	shalt  }
0x3f: {  	_ =	shalt  }
0x40: {  	_ =	shalt  }
0x41: {  	_ =	shalt  }
0x42: {  	_ =	shalt  }
0x43: {  	_ =	shalt  }
0x44: {  	_ =	shalt  }
0x45: {  	_ =	shalt  }
0x46: {  	_ =	shalt  }
0x47: {  	_ =	shalt  }
0x48: {  	_ =	shalt  }
0x49: {  	_ =	shalt  }
0x4a: {  	_ =	shalt  }
0x4b: {  	_ =	shalt  }
0x4c: {  	_ =	shalt  }
0x4d: {  	_ =	shalt  }
0x4e: {  	_ =	shalt  }
0x4f: {  	_ =	shalt  }
0x50: {  	_ =	shalt  }
0x51: {  	_ =	shalt  }
0x52: {  	_ =	shalt  }
0x53: {  	_ =	shalt  }
0x54: {  	_ =	shalt  }
0x55: {  	_ =	shalt  }
0x56: {  	_ =	shalt  }
0x57: {  	_ =	shalt  }
0x58: {  	_ =	shalt  }
0x59: {  	_ =	shalt  }
0x5a: {  	_ =	shalt  }
0x5b: {  	_ =	shalt  }
0x5c: {  	_ =	shalt  }
0x5d: {  	_ =	shalt  }
0x5e: {  	_ =	shalt  }
0x5f: {  	_ =	shalt  }
0x60: {  	_ =	shalt  }
0x61: {  	_ =	shalt  }
0x62: {  	_ =	shalt  }
0x63: {  	_ =	shalt  }
0x64: {  	_ =	shalt  }
0x65: {  	_ =	shalt  }
0x66: {  	_ =	shalt  }
0x67: {  	_ =	shalt  }
0x68: {  	_ =	shalt  }
0x69: {  	_ =	shalt  }
0x6a: {  	_ =	shalt  }
0x6b: {  	_ =	shalt  }
0x6c: {  	_ =	shalt  }
0x6d: {  	_ =	shalt  }
0x6e: {  	_ =	shalt  }
0x6f: {  	_ =	shalt  }
0x70: {  	_ =	shalt  }
0x71: {  	_ =	shalt  }
0x72: {  	_ =	shalt  }
0x73: {  	_ =	shalt  }
0x74: {  	_ =	shalt  }
0x75: {  	_ =	shalt  }
0x76: {  	_ =	shalt  }
0x77: {  	_ =	shalt  }
0x78: {  	_ =	shalt  }
0x79: {  	_ =	shalt  }
0x7a: {  	_ =	shalt  }
0x7b: {  	_ =	shalt  }
0x7c: {  	_ =	shalt  }
0x7d: {  	_ =	shalt  }
0x7e: {  	_ =	shalt  }
0x7f: {  	_ =	shalt  }
0x80: {  	_ =	shalt  }
0x81: {  	_ =	shalt  }
0x82: {  	_ =	shalt  }
0x83: {  	_ =	shalt  }
0x84: {  	_ =	shalt  }
0x85: {  	_ =	shalt  }
0x86: {  	_ =	shalt  }
0x87: {  	_ =	shalt  }
.Lfunc_end0:
.L_simem_size_0:
called_computation.2_lowered:
.L_overlay_start_0:
0x88: {  	s2 =	sld [smem:$0x3FD9]  }
0x89: {  	s3 =	sld [smem:$0x3FFE];
	_ =	sdelay $0x1  }
0x8a: {  	s1 =	srdreg.scid  }
0x8b: {  	s0 =	sand.u32 $0x1, s1  }
0x8c: {  	s17 =	sshll.u32 s0, $0xA;
	s2 =	sadd.s32 s3, s2  }
0x8d: {  	s2 =	sadd.s32 s2, s17  }
0x8e: {  	[smem:$0x3FC2] =	sst s2  }
0x8f: {  	_ = 	snop  }
0x90: {  	s2 =	sld [smem:$0x3FD0];
	(tm) =	ssettm $0x1  }
0x91: {  	s18 =	sld [smem:$0x3FFB];
	_ =	sdelay $0x3  }
0x92: {  	_ =	strace s18  }
0x93: {  	s3 =	sld [smem:$0x3FFC];
	_ =	sdelay $0x3  }
0x94: {  	_ =	strace s3  }
0x95: {  	s3 =	sld [smem:$0x3FFD];
	_ =	sdelay $0x3  }
0x96: {  	_ =	strace s3  }
0x97: {  	_ =	strace $0x8FFFFFFF  }
0x98: {  	s19 =	sld [smem:$0x3FDB];
	_ =	sdelay $0x1  }
0x99: {  	s4 =	simm.s32 $_scs_section_size  }
0x9a: {  	s5 =	simm.s32 $_size__tile_overlayer_lowered;
	s6 =	simm.s32 $_tile_overlayer_lowered  }
0x9b: {  	s22 =	simm.s32 $0x1BFF;
	s21 =	sshll.u32 s6, $0x1;
	s3 =	sadd.s32 s4, s19  }
0x9c: {  	s7 =	simm.s32 $0x0;
	s20 =	sshll.u32 s5, $0x1;
	s5 =	sadd.s32 s21, s3  }
0x9d: {  	[timem:s7], [sflag:s22] =	dma.local [hbm:s5], s20  }
0x9e: {  	_ =	swait.ge [sflag:s22], s20  }
0x9f: {  	s4 =	ssub.s32 $0x0, s20;
	[sflag:s22] =	ssyncset.done $0x0  }
0xa0: {  	[sflag:s22] =	ssyncadd.s32 s4;
	_ =	sdelay $0x1  }
0xa1: {  	s23 =	simm.s32 $0x1B8B  }
0xa2: {  	_ =	swait.ge [sflag:s23], $0x1  }
0xa3: {  	[sflag:s23] =	ssyncset.done $0x0  }
0xa4: {  	s25 =	simm.s32 $0x1B8E;
	s24 =	sld [smem:$0x3FFE];
	[sflag:s23] =	ssyncadd.s32 $0xFFFFFFFF  }
0xa5: {  	s26 =	simm.s32 $execute0_lowered;
	[smem:$0x3FD2] =	sst s25  }
0xa6: {  	s5 =	sshll.u32 s26, $0x1;
	_ =	strace $0x8000004C;
	[dreg:$0x1] =	wrdreg $0xFFFFFFFF  }
0xa7: {  	s28 =	simm.s32 $_size_execute0_lowered;
	s3 =	sadd.s32 s3, s5;
	[dreg:$0x0] =	wrdreg $0x0  }
0xa8: {  	s5 =	sshll.u32 s28, $0x1;
	[dreg:$0x2] =	wrdreg s3  }
0xa9: {  	[dreg:$0x3] =	wrdreg s5  }
0xaa: {  	[dreg:$0x4] =	wrdreg $0xC0  }
0xab: {  	_ =	task [dreg:s7], $0x5FFFF  }
0xac: {  	[dreg:$0x1] =	wrdreg $0xFFFFFFFF  }
0xad: {  	[dreg:$0x0] =	wrdreg $0x60  }
0xae: {  	[dreg:$0x2] =	wrdreg s2  }
0xaf: {  	[dreg:$0x3] =	wrdreg s24  }
0xb0: {  	[dreg:$0x4] =	wrdreg $0xC7000  }
0xb1: {  	[dreg:$0x5] =	wrdreg $0x9  }
0xb2: {  	_ =	task.clear_ibuf [dreg:s7], $0x6FFFF;
	_ =	strace $0x9000004C  }
0xb3: {  	s29 =	simm.s32 $0x9;
	_ =	strace $0x8000004E  }
0xb4: {  	_ =	swait.ge [sflag:s29], $0x1  }
0xb5: {  	[sflag:s29] =	ssyncadd.s32 $0xFFFFFFFF  }
0xb6: {  	_ =	strace $0x9000004E  }
0xb7: {  	_ =	sfence  }
0xb8: {  	s30 =	sld [smem:$0x0];
	_ =	sdelay $0x2  }
0xb9: {  	s31 =	sshll.u32 s1, $0xD;
	s1 =	sshrl.u32 s1, $0x2  }
0xba: {  	s3 =	sand.u32 $0x4000, s31;
	s1 =	sadd.s32 s1, s30  }
0xbb: {  	s0 =	sor.u32 s3, s0;
	s1 =	sshll.u32 s1, $0x11  }
0xbc: {  	s0 =	sor.u32 s1, s0  }
0xbd: {  	s0 =	sadd.s32 $0x8F2B, s0  }
0xbe: {  	[sflag:s0] =	ssyncadd.remote.s32 $0x1  }
0xbf: {  	_ =	sfence.sel $0xFFFF  }
0xc0: {  	[dreg:$0x0] =	wrdreg $0xFFFFFFFF;
	(pc) =	sbr.abs _section_cstart, $3  }
0xc1: {  	[dreg:$0x1] =	wrdreg $0xFFFFFFFF  }
0xc2: {  	_ =	task.clear_ibuf [dreg:s7], $0x2FFFF;
	_ =	strace $0x9FFFFFFF  }
0xc3: {  	(tm) =	ssettm $0x7FFFFFFF  }
tec
execute0_lowered:
.L_overlay_start_1:
0x0: {  	(tag) =	ssettag $0x1  }
0x1: {  	s0 =	rddreg [dreg:$0x0]  }
0x2: {  	s1 =	srdreg.scid;
	s4 =	rddreg [dreg:$0x1]  }
0x3: {  	s12 =	stileid.u32;
	s2 =	rddreg [dreg:$0x2];
	s3 =	simm.s32 $0x0  }
0x4: {  	s16 =	simm.s32 $0x1;
	s17 =	simm.s32 $0x50;
	s18 =	simm.s32 $0x4F00  }
0x5: {  	s19 =	simm.s32 $0x7700;
	s20 =	simm.s32 $0x4;
	s21 =	simm.s32 $0x6  }
0x6: {  	s22 =	simm.s32 $0x9F00;
	s23 =	simm.s32 $0x3;
	s24 =	simm.s32 $0x5  }
0x7: {  	s6 =	sand.u32 $0x1, s1;
	s25 =	sshll.u32 s12, $0x1;
	s8 =	smul.u32 $0x4E000, s12  }
0x8: {  	[smem:$0x7FF] =	sst s3;
	s10 =	sadd.s32 $0x15C00, s4;
	s9 =	smul.u32 $0x13800, s12  }
0x9: {  	s31 =	sshll.u32 s12, $0x6;
	s15 =	sadd.s32 $0x138000, s2;
	p0 =	sne.s32 s12, $0x0  }
0xa: {  	s12 =	simm.s32 $0x2780;
	s5 =	sor.u32 s6, s25;
	_ =	strace $0x8000004D  }
0xb: {  	s7 =	ssub.s32 $0x2, s6;
	s29 =	smul.u32 $0x138800, s6;
	s15 =	sshrl.u32 @!p0 s15, $0x3  }
0xc: {  	s25 =	simm.s32 $0x2;
	s5 =	smul.u32 $0x4E2, s5;
	s26 =	sshrl.u32 s7, $0x1  }
0xd: {  	s28 =	sshrl.u32 s8, $0x2;
	s30 =	sshrl.u32 s9, $0x3;
	s8 =	sadd.s32 $0x27000, s0  }
0xe: {  	s11 =	ssub.s32 s7, s26;
	s13 =	sadd.s32 s28, s2;
	s6 =	sadd.s32 s0, s30  }
.Ltmp0:
0xf: {  	s7 =	sor.u32 $0x1C08, s31;
	s9 =	sadd.s32 s9, s29;
	(pc) =	sbr.rel .LBB2_1-.Ltmp0, $4  }
0x10: {  	s14 =	sshrl.u32 s29, $0x3;
	s26 =	simm.s32 $0x0;
	s5 =	sadd.s32 s5, s4  }
0x11: {  	s9 =	sshrl.u32 s9, $0x3;
	s11 =	smax.u32 s11, $0x1;
	s13 =	sshrl.u32 s13, $0x3  }
0x12: {  	s4 =	sadd.s32 $0x2000, s5;
	s9 =	sadd.s32 s10, s9;
	s10 =	sadd.s32 s10, s14  }
0x13: {  	s5 =	sadd.s32 $0xBE00, s5;
	s14 =	simm.s32 $0x8;
	s10 =	sadd.s32 $0x27000, s10  }
.LBB2_8:
0x14: {  	_ =	swait.ge [sflag:s21], $0x2800  }
0x15: {  	[sflag:s21] =	ssyncset.done $0x0  }
0x16: {  	[sflag:s21] =	ssyncadd.s32 $0xFFFFD800  }
0x17: {  	[bflag:$0x0] =	sbarrier.arrive $0xFFFF  }
0x18: {  	[hbm:s9], [sflag:s7] =	dma.local [spmem:s13], $0x2700  }
0x19: {  	s26 =	sadd.s32 $0x1, s26;
	_ =	swait.ge [sflag:s14], $0x2700  }
0x1a: {  	p1 =	sne.s32 s26, s11;
	[sflag:s14] =	ssyncset.done $0x0  }
.Ltmp1:
0x1b: {  	s1 =	simm.s32 @!p0 $0x8;
	[sflag:s14] =	ssyncadd.s32 $0xFFFFD900;
	(pc) =	sbr.rel @!p1 .LBB2_9-.Ltmp1, $4  }
0x1c: {  	[hbm:s10], [sflag:s7] =	dma.local @!p0 [spmem:s15], $0x100  }
0x1d: {  	_ =	swait.ge @!p0 [sflag:s1], $0x100  }
0x1e: {  	[sflag:s1] =	ssyncset.done @!p0 $0x0  }
0x1f: {  	[sflag:s1] =	ssyncadd.s32 @!p0 $0xFFFFFF00  }
.LBB2_1:
0x20: {  	[tilespmem:s3], [sflag:$0x1] =	stream.linear.gather [hbm4b:s4+s3], $0x2710, $0x38;
	[tilespmem:$0x1FF80] =	vst v63  }
0x21: {  	_ = 	snop  }
0x22: {  	[tilespmem:s12], [sflag:$0x1] =	stream.linear.gather [hbm4b:s5+s3], $0x2710, $0x38;
	[tilespmem:$0x1FF80] =	vst v63  }
0x23: {  	[spmem:s13], [sflag:s7] =	dma.local [hbm:s6], $0x2700  }
0x24: {  	_ =	swait.ge [sflag:s14], $0x2700  }
0x25: {  	[sflag:s14] =	ssyncset.done $0x0  }
0x26: {  	s28 =	simm.s32 @!p0 $0x8;
	[sflag:s14] =	ssyncadd.s32 $0xFFFFD900  }
0x27: {  	[spmem:s15], [sflag:s7] =	dma.local @!p0 [hbm:s8], $0x100  }
0x28: {  	_ =	swait.ge @!p0 [sflag:s28], $0x100  }
0x29: {  	[sflag:s28] =	ssyncset.done @!p0 $0x0  }
0x2a: {  	[sflag:s28] =	ssyncadd.s32 @!p0 $0xFFFFFF00  }
0x2b: {  	_ =	swait.ge [sflag:s16], $0x2710  }
0x2c: {  	[sflag:s16] =	ssyncset.done $0x0  }
0x2d: {  	[sflag:s16] =	ssyncadd.s32 $0xFFFFD8F0  }
0x2e: {  	_ =	swait.ge [sflag:s16], $0x2710  }
0x2f: {  	[sflag:s16] =	ssyncset.done $0x0  }
.Ltmp2:
0x30: {  	[sflag:s16] =	ssyncadd.s32 $0xFFFFD8F0;
	(pc) =	sbr.rel .LBB2_2-.Ltmp2, $4  }
0x31: {  	[bflag:$0x0] =	sbarrier.arrive $0xFFFF  }
0x32: {  	[tilespmem:s18], [sflag:$0x2] =	stream.indirect.gather [hbm4b:s0+s17], $0x80, s3, s17, $0xb8;
	[tilespmem:$0x1FF80] =	vst v63  }
0x33: {  	s29 =	simm.s32 $0x2780;
	s30 =	simm.s32 $0x0;
	s28 =	simm.s32 $0xA0  }
0x34: {  	[tilespmem:s19], [sflag:$0x3] =	stream.indirect.gather [hbm4b:s0+s17], $0x80, s17, s17, $0xb8;
	[tilespmem:$0x1FF80] =	vst v63  }
.LBB2_6:
0x35: {  	_ =	swait.ge [sflag:s20], $0x2800  }
0x36: {  	[sflag:s20] =	ssyncset.done $0x0  }
0x37: {  	[sflag:s20] =	ssyncadd.s32 $0xFFFFD800  }
0x38: {  	_ =	swait.ge [sflag:s21], $0x2800  }
0x39: {  	p1 =	sgt.u32 s30, $0x7A;
	[sflag:s21] =	ssyncset.done $0x0  }
0x3a: {  	s1 =	simm.s32 @!p1 $0x50;
	s31 =	simm.s32 @!p1 $0x7700;
	[sflag:s21] =	ssyncadd.s32 $0xFFFFD800  }
0x3b: {  	[tilespmem:s31], [sflag:$0x3] =	stream.indirect.gather @!p1 [hbm4b:s0+s1], $0x80, s28, s1, $0xb8;
	[tilespmem:$0x1FF80] =	vst v63  }
0x3c: {  	_ = 	snop  }
0x3d: {  	[spmem:s2] =	stream.indirect.scatter.add.f32 [tilespmem:s22], [sflag:$0x7], $0x80, s29, s17, $0xb8;
	[tilespmem:$0x1FF80] =	vst v63  }
.LBB2_7:
0x3e: {  	s30 =	sadd.s32 $0x1, s30  }
0x3f: {  	p1 =	sne.s32 s30, $0x7D  }
.Ltmp3:
0x40: {  	_ = 	snop;
	(pc) =	sbr.rel @!p1 .LBB2_8-.Ltmp3, $2  }
0x41: {  	_ =	sdelay $0x2  }
0x42: {  	s29 =	sadd.s32 $0x50, s29;
	s28 =	sadd.s32 $0x50, s28  }
.LBB2_2:
0x43: {  	s31 =	smul.u32 $0xAB, s30;
	_ =	sdelay $0x1  }
0x44: {  	s31 =	sshrl.u32 s31, $0x9  }
0x45: {  	s31 =	sand.u32 $0x7F, s31  }
0x46: {  	s31 =	smul.u32 $0x3, s31;
	_ =	sdelay $0x1  }
0x47: {  	s31 =	ssub.s32 s30, s31  }
0x48: {  	s31 =	sand.u32 $0xFF, s31  }
0x49: {  	p1 =	seq.s32 s31, $0x2  }
.Ltmp4:
0x4a: {  	_ = 	snop;
	(pc) =	sbr.rel @p1 .LBB2_6-.Ltmp4, $1  }
0x4b: {  	_ =	sdelay $0x3  }
0x4c: {  	p1 =	seq.s32 s31, $0x1  }
.Ltmp5:
0x4d: {  	_ = 	snop;
	(pc) =	sbr.rel @!p1 .LBB2_4-.Ltmp5, $1  }
0x4e: {  	_ =	sdelay $0x3  }
0x4f: {  	_ =	swait.ge [sflag:s23], $0x2800  }
0x50: {  	[sflag:s23] =	ssyncset.done $0x0  }
0x51: {  	[sflag:s23] =	ssyncadd.s32 $0xFFFFD800  }
0x52: {  	_ =	swait.ge [sflag:s24], $0x2800  }
.Ltmp6:
0x53: {  	p1 =	sgt.u32 s30, $0x7A;
	[sflag:s24] =	ssyncset.done $0x0;
	(pc) =	sbr.rel .LBB2_7-.Ltmp6, $4  }
0x54: {  	s31 =	simm.s32 @!p1 $0x50;
	s1 =	simm.s32 @!p1 $0x4F00;
	[sflag:s24] =	ssyncadd.s32 $0xFFFFD800  }
0x55: {  	[tilespmem:s1], [sflag:$0x2] =	stream.indirect.gather @!p1 [hbm4b:s0+s31], $0x80, s28, s31, $0xb8;
	[tilespmem:$0x1FF80] =	vst v63  }
0x56: {  	_ = 	snop  }
0x57: {  	[spmem:s2] =	stream.indirect.scatter.add.f32 [tilespmem:s19], [sflag:$0x6], $0x80, s29, s17, $0xb8;
	[tilespmem:$0x1FF80] =	vst v63  }
.LBB2_4:
0x58: {  	_ =	swait.ge [sflag:s25], $0x2800  }
0x59: {  	p1 =	seq.s32 s30, $0x0;
	[sflag:s25] =	ssyncset.done $0x0  }
0x5a: {  	s31 =	simm.s32 @!p1 $0x7;
	[sflag:s25] =	ssyncadd.s32 $0xFFFFD800  }
0x5b: {  	_ =	swait.ge @!p1 [sflag:s31], $0x2800  }
.Ltmp7:
0x5c: {  	p2 =	sgt.u32 @!p1 s30, $0x7A;
	[sflag:s31] =	ssyncset.done @!p1 $0x0;
	(pc) =	sbr.rel .LBB2_7-.Ltmp7, $4  }
0x5d: {  	p2 =	por p1, !p2;
	[sflag:s31] =	ssyncadd.s32 @!p1 $0xFFFFD800  }
0x5e: {  	[tilespmem:s22], [sflag:$0x4] =	stream.indirect.gather @p2 [hbm4b:s0+s17], $0x80, s28, s17, $0xb8;
	[tilespmem:$0x1FF80] =	vst v63  }
0x5f: {  	_ = 	snop  }
0x60: {  	[spmem:s2] =	stream.indirect.scatter.add.f32 [tilespmem:s18], [sflag:$0x5], $0x80, s29, s17, $0xb8;
	[tilespmem:$0x1FF80] =	vst v63  }
.LBB2_9:
0x61: {  	_ =	sfence.sel $0x180000  }
0x62: {  	[bflag:$0x0] =	sbarrier.arrive $0xFFFF  }
0x63: {  	_ =	strace $0x9000004D  }
0x64: {  	[bflag:$0x2] =	sbarrier.arrive $0xFFFF  }
0x65: {  	s0 =	rddreg [dreg:$0x3]  }
0x66: {  	s0 =	sadd.s32 @!p0 $0x100000, s0  }
0x67: {  	[sflag:s0] =	ssyncadd.tile.s32 @!p0 $0x1;
	_ =	shalt  }
.Lfunc_end2:
_tile_overlayer_lowered:
.L_overlay_start_2:
0x68: {  	(tag) =	ssettag $0x2  }
0x69: {  	s0 =	rddreg [dreg:$0x0];
	s2 =	stileid.u32  }
0x6a: {  	s1 =	rddreg [dreg:$0x1];
	p0 =	sne.s32 s2, $0x0  }
0x6b: {  	s3 =	rddreg [dreg:$0x2];
	[bflag:$0x3] =	sbarrier.arrive $0xFFFF;
	s2 =	simm.s32 @!p0 $0x1C08  }
0x6c: {  	[timem:s3], [sflag:s2] =	dma.local @!p0 [hbm:s0], s1  }
0x6d: {  	s0 =	simm.s32 @!p0 $0x8  }
0x6e: {  	_ =	swait.ge @!p0 [sflag:s0], s1  }
0x6f: {  	s1 =	ssub.s32 @!p0 $0x0, s1;
	[sflag:s0] =	ssyncset.done @!p0 $0x0  }
0x70: {  	[sflag:s0] =	ssyncadd.s32 @!p0 s1  }
0x71: {  	[bflag:$0x3] =	sbarrier.arrive $0xFFFF  }
0x72: {  	_ =	shalt  }

// kernel: _run.8.cloned.1.call-start
scs
__scs_entry_jumppad:
0x0: {  	(pc) =	sbr.rel $0x88, $3  }
0x1: {  	(tag) =	ssettag $0x0;
	lr =	simm.s32 $0x1  }
0x2: {  	[smem:$0x3F9B] =	sst lr;
	_ =	strace $0xD0000000  }
0x3: {  	_ = 	snop  }
0x4: {  	_ = 	snop  }
0x5: {  	_ = 	snop  }
0x6: {  	_ = 	snop  }
0x7: {  	_ = 	snop  }
__scs_overlays_trampoline_lowered:
0x8: {  	[smem:$0x3FAA] =	sst s0  }
0x9: {  	[smem:$0x3FAB] =	sst s1  }
0xa: {  	[smem:$0x3FAC] =	sst s2  }
0xb: {  	[smem:$0x3FAD] =	sst s3  }
0xc: {  	[smem:$0x3FAE] =	sst s4  }
0xd: {  	[smem:$0x3FAF] =	sst s5  }
0xe: {  	[smem:$0x3FB0] =	sst s6  }
0xf: {  	[smem:$0x3FB1] =	sst s7  }
0x10: {  	[smem:$0x3FB2] =	sst s8  }
0x11: {  	[smem:$0x3FB3] =	sst s9;
	s0 =	simm.s32 @!p0 $0x0  }
0x12: {  	s1 =	sld [smem:$0x3F99];
	s0 =	simm.s32 @p0 $0x1  }
0x13: {  	[smem:$0x3FB4] =	sst s0;
	s0 =	simm.s32 @!p1 $0x0  }
0x14: {  	s2 =	sld [smem:$0x3F98];
	s0 =	simm.s32 @p1 $0x1  }
0x15: {  	[smem:$0x3FB5] =	sst s0;
	s0 =	simm.s32 @!p2 $0x0  }
0x16: {  	s3 =	sld [smem:$0x3FDB];
	s0 =	simm.s32 @p2 $0x1  }
0x17: {  	s4 =	simm.s32 $0x1BF5;
	[smem:$0x3FB7] =	sst s0  }
0x18: {  	s0 =	sld [smem:$0x3F9A];
	_ =	swait.ge [sflag:s4], $0x0  }
0x19: {  	s7 =	sld [smem:$0x3F9B]  }
0x1a: {  	s8 =	sadd.s32 $0xFFFFE003, lr  }
0x1b: {  	s9 =	sadd.s32 $0xFFFFFEF7, lr;
	s5 =	simm.s32 $0xFFFFFFFF;
	p2 =	slt.u32 s8, $0xFFFFF086  }
0x1c: {  	p1 =	slt.u32 s9, $0xF7A;
	s5 =	simm.s32 @!p2 $0x0  }
0x1d: {  	s5 =	simm.s32 @p1 $0x1;
	p0 =	seq.s32 s7, s2  }
0x1e: {  	s7 =	smul.u32 @!p0 $0xF7A, s2;
	p2 =	seq.s32 @!p0 s5, $0x0  }
0x1f: {  	s9 =	smul.u32 $0xF7A, s1;
	s8 =	simm.s32 @!p0 $0x1BF5;
	p2 =	por !p2, p0  }
0x20: {  	[sflag:s8] =	ssyncset.s32 @!p0 $0xFFFFF086;
	s6 =	sadd.s32 @!p0 s3, s7;
	s7 =	simm.s32 @!p0 $0x108  }
0x21: {  	s3 =	sadd.s32 s3, s9;
	s6 =	sadd.s32 @!p0 $0x88, s6;
	s7 =	simm.s32 @p2 $0x1082  }
0x22: {  	[simem:s7], [sflag:s8] =	dma.local @!p0 [hbm:s6], $0xF7A  }
0x23: {  	s9 =	sor.u32 $0xD0000000, s2;
	s6 =	simm.s32 $0x108;
	_ =	swait.ge @!p0 [sflag:s8], $0x0  }
0x24: {  	s3 =	sadd.s32 $0x88, s3;
	s6 =	simm.s32 @!p1 $0x1082;
	[sflag:s4] =	ssyncset.s32 $0xFFFFF086  }
0x25: {  	[simem:s6], [sflag:s4] =	dma.local [hbm:s3], $0xF7A  }
0x26: {  	[smem:$0x3F9B] =	sst s1;
	(tag) =	ssettag s2;
	_ =	strace s9  }
0x27: {  	s1 =	sld [smem:$0x3FAB]  }
0x28: {  	s2 =	sld [smem:$0x3FAC]  }
0x29: {  	s4 =	sld [smem:$0x3FAE]  }
0x2a: {  	p0 =	seq.s32 s5, $0x0;
	s5 =	sld [smem:$0x3FAF]  }
0x2b: {  	s6 =	sld [smem:$0x3FB0]  }
0x2c: {  	s7 =	sld [smem:$0x3FB1]  }
0x2d: {  	s3 =	simm.s32 $0x108;
	s8 =	sld [smem:$0x3FB2]  }
0x2e: {  	s3 =	simm.s32 @!p0 $0x1082;
	s9 =	sld [smem:$0x3FB3]  }
0x2f: {  	lr =	sadd.s32 s0, s3;
	s0 =	sld [smem:$0x3FAA]  }
0x30: {  	s3 =	sld [smem:$0x3FAD]  }
0x31: {  	[smem:$0x3FB6] =	sst s10  }
0x32: {  	s10 =	sld [smem:$0x3FB4];
	_ =	sdelay $0x3  }
0x33: {  	p0 =	seq.s32 s10, $0x1;
	s10 =	sld [smem:$0x3FB6];
	_ =	sdelay $0x3  }
0x34: {  	[smem:$0x3FB6] =	sst s10  }
0x35: {  	s10 =	sld [smem:$0x3FB5];
	_ =	sdelay $0x3  }
0x36: {  	p1 =	seq.s32 s10, $0x1;
	s10 =	sld [smem:$0x3FB6];
	_ =	sdelay $0x3  }
0x37: {  	[smem:$0x3FB6] =	sst s10  }
0x38: {  	s10 =	sld [smem:$0x3FB7]  }
0x39: {  	_ = 	snop;
	(pc) =	sbr.ind lr, $3  }
0x3a: {  	_ = 	snop  }
0x3b: {  	_ = 	snop  }
0x3c: {  	p2 =	seq.s32 s10, $0x1;
	s10 =	sld [smem:$0x3FB6]  }
0x3d: {  	_ =	shalt  }
0x3e: {  	_ =	shalt  }
0x3f: {  	_ =	shalt  }
0x40: {  	_ =	shalt  }
0x41: {  	_ =	shalt  }
0x42: {  	_ =	shalt  }
0x43: {  	_ =	shalt  }
0x44: {  	_ =	shalt  }
0x45: {  	_ =	shalt  }
0x46: {  	_ =	shalt  }
0x47: {  	_ =	shalt  }
0x48: {  	_ =	shalt  }
0x49: {  	_ =	shalt  }
0x4a: {  	_ =	shalt  }
0x4b: {  	_ =	shalt  }
0x4c: {  	_ =	shalt  }
0x4d: {  	_ =	shalt  }
0x4e: {  	_ =	shalt  }
0x4f: {  	_ =	shalt  }
0x50: {  	_ =	shalt  }
0x51: {  	_ =	shalt  }
0x52: {  	_ =	shalt  }
0x53: {  	_ =	shalt  }
0x54: {  	_ =	shalt  }
0x55: {  	_ =	shalt  }
0x56: {  	_ =	shalt  }
0x57: {  	_ =	shalt  }
0x58: {  	_ =	shalt  }
0x59: {  	_ =	shalt  }
0x5a: {  	_ =	shalt  }
0x5b: {  	_ =	shalt  }
0x5c: {  	_ =	shalt  }
0x5d: {  	_ =	shalt  }
0x5e: {  	_ =	shalt  }
0x5f: {  	_ =	shalt  }
0x60: {  	_ =	shalt  }
0x61: {  	_ =	shalt  }
0x62: {  	_ =	shalt  }
0x63: {  	_ =	shalt  }
0x64: {  	_ =	shalt  }
0x65: {  	_ =	shalt  }
0x66: {  	_ =	shalt  }
0x67: {  	_ =	shalt  }
0x68: {  	_ =	shalt  }
0x69: {  	_ =	shalt  }
0x6a: {  	_ =	shalt  }
0x6b: {  	_ =	shalt  }
0x6c: {  	_ =	shalt  }
0x6d: {  	_ =	shalt  }
0x6e: {  	_ =	shalt  }
0x6f: {  	_ =	shalt  }
0x70: {  	_ =	shalt  }
0x71: {  	_ =	shalt  }
0x72: {  	_ =	shalt  }
0x73: {  	_ =	shalt  }
0x74: {  	_ =	shalt  }
0x75: {  	_ =	shalt  }
0x76: {  	_ =	shalt  }
0x77: {  	_ =	shalt  }
0x78: {  	_ =	shalt  }
0x79: {  	_ =	shalt  }
0x7a: {  	_ =	shalt  }
0x7b: {  	_ =	shalt  }
0x7c: {  	_ =	shalt  }
0x7d: {  	_ =	shalt  }
0x7e: {  	_ =	shalt  }
0x7f: {  	_ =	shalt  }
0x80: {  	_ =	shalt  }
0x81: {  	_ =	shalt  }
0x82: {  	_ =	shalt  }
0x83: {  	_ =	shalt  }
0x84: {  	_ =	shalt  }
0x85: {  	_ =	shalt  }
0x86: {  	_ =	shalt  }
0x87: {  	_ =	shalt  }
.Lfunc_end0:
.L_simem_size_0:
called_computation_lowered:
.L_overlay_start_0:
0x88: {  	s2 =	sld [smem:$0x3FD9]  }
0x89: {  	s3 =	sld [smem:$0x3FFE];
	_ =	sdelay $0x1  }
0x8a: {  	s1 =	srdreg.scid  }
0x8b: {  	s0 =	sand.u32 $0x1, s1  }
0x8c: {  	s17 =	sshll.u32 s0, $0xA;
	s2 =	sadd.s32 s3, s2  }
0x8d: {  	s2 =	sadd.s32 s2, s17  }
0x8e: {  	[smem:$0x3FC2] =	sst s2  }
0x8f: {  	_ = 	snop  }
0x90: {  	s2 =	sld [smem:$0x3FD0];
	(tm) =	ssettm $0x1  }
0x91: {  	s18 =	sld [smem:$0x3FFB];
	_ =	sdelay $0x3  }
0x92: {  	_ =	strace s18  }
0x93: {  	s3 =	sld [smem:$0x3FFC];
	_ =	sdelay $0x3  }
0x94: {  	_ =	strace s3  }
0x95: {  	s3 =	sld [smem:$0x3FFD];
	_ =	sdelay $0x3  }
0x96: {  	_ =	strace s3  }
0x97: {  	_ =	strace $0x8FFFFFFF  }
0x98: {  	s19 =	sld [smem:$0x3FDB];
	_ =	sdelay $0x1  }
0x99: {  	s4 =	simm.s32 $_scs_section_size  }
0x9a: {  	s5 =	simm.s32 $_size__tile_overlayer_lowered;
	s6 =	simm.s32 $_tile_overlayer_lowered  }
0x9b: {  	s22 =	simm.s32 $0x1BFF;
	s21 =	sshll.u32 s6, $0x1;
	s3 =	sadd.s32 s4, s19  }
0x9c: {  	s7 =	simm.s32 $0x0;
	s20 =	sshll.u32 s5, $0x1;
	s5 =	sadd.s32 s21, s3  }
0x9d: {  	[timem:s7], [sflag:s22] =	dma.local [hbm:s5], s20  }
0x9e: {  	_ =	swait.ge [sflag:s22], s20  }
0x9f: {  	s4 =	ssub.s32 $0x0, s20;
	[sflag:s22] =	ssyncset.done $0x0  }
0xa0: {  	[sflag:s22] =	ssyncadd.s32 s4;
	_ =	sdelay $0x1  }
0xa1: {  	s23 =	simm.s32 $0x1B8B  }
0xa2: {  	_ =	swait.ge [sflag:s23], $0x1  }
0xa3: {  	[sflag:s23] =	ssyncset.done $0x0  }
0xa4: {  	s25 =	simm.s32 $0x1B8E;
	s24 =	sld [smem:$0x3FFE];
	[sflag:s23] =	ssyncadd.s32 $0xFFFFFFFF  }
0xa5: {  	s26 =	simm.s32 $execute0_lowered;
	[smem:$0x3FD2] =	sst s25  }
0xa6: {  	s5 =	sshll.u32 s26, $0x1;
	_ =	strace $0x80000046;
	[dreg:$0x1] =	wrdreg $0xFFFFFFFF  }
0xa7: {  	s28 =	simm.s32 $_size_execute0_lowered;
	s3 =	sadd.s32 s3, s5;
	[dreg:$0x0] =	wrdreg $0x0  }
0xa8: {  	s5 =	sshll.u32 s28, $0x1;
	[dreg:$0x2] =	wrdreg s3  }
0xa9: {  	[dreg:$0x3] =	wrdreg s5  }
0xaa: {  	[dreg:$0x4] =	wrdreg $0xC0  }
0xab: {  	_ =	task [dreg:s7], $0x5FFFF  }
0xac: {  	[dreg:$0x1] =	wrdreg $0xFFFFFFFF  }
0xad: {  	[dreg:$0x0] =	wrdreg $0x60  }
0xae: {  	[dreg:$0x2] =	wrdreg s24  }
0xaf: {  	[dreg:$0x3] =	wrdreg s2  }
0xb0: {  	[dreg:$0x4] =	wrdreg $0x8B800  }
0xb1: {  	[dreg:$0x5] =	wrdreg $0x9  }
0xb2: {  	_ =	task.clear_ibuf [dreg:s7], $0x6FFFF;
	_ =	strace $0x90000046  }
0xb3: {  	s29 =	simm.s32 $0x9;
	_ =	strace $0x80000048  }
0xb4: {  	_ =	swait.ge [sflag:s29], $0x1  }
0xb5: {  	[sflag:s29] =	ssyncadd.s32 $0xFFFFFFFF  }
0xb6: {  	_ =	strace $0x90000048  }
0xb7: {  	_ =	sfence  }
0xb8: {  	s30 =	sld [smem:$0x0];
	_ =	sdelay $0x2  }
0xb9: {  	s31 =	sshll.u32 s1, $0xD;
	s1 =	sshrl.u32 s1, $0x2  }
0xba: {  	s3 =	sand.u32 $0x4000, s31;
	s1 =	sadd.s32 s1, s30  }
0xbb: {  	s0 =	sor.u32 s3, s0;
	s1 =	sshll.u32 s1, $0x11  }
0xbc: {  	s0 =	sor.u32 s1, s0  }
0xbd: {  	s0 =	sadd.s32 $0x8F2B, s0  }
0xbe: {  	[sflag:s0] =	ssyncadd.remote.s32 $0x1  }
0xbf: {  	_ =	sfence.sel $0xFFFF  }
0xc0: {  	[dreg:$0x0] =	wrdreg $0xFFFFFFFF;
	(pc) =	sbr.abs _section_cstart, $3  }
0xc1: {  	[dreg:$0x1] =	wrdreg $0xFFFFFFFF  }
0xc2: {  	_ =	task.clear_ibuf [dreg:s7], $0x2FFFF;
	_ =	strace $0x9FFFFFFF  }
0xc3: {  	(tm) =	ssettm $0x7FFFFFFF  }
tec
execute0_lowered:
.L_overlay_start_1:
0x0: {  	(tag) =	ssettag $0x1  }
0x1: {  	s4 =	rddreg [dreg:$0x0]  }
0x2: {  	s0 =	rddreg [dreg:$0x1];
	s1 =	srdreg.scid  }
0x3: {  	s11 =	stileid.u32;
	s2 =	rddreg [dreg:$0x2];
	s3 =	simm.s32 $0x0  }
0x4: {  	s16 =	simm.s32 $0xC8;
	s17 =	simm.s32 $0x0;
	s5 =	sand.u32 $0x1, s1  }
0x5: {  	s6 =	sshll.u32 s11, $0x1;
	s1 =	rddreg [dreg:$0x3];
	s8 =	smul.u32 $0x4E000, s11  }
0x6: {  	[smem:$0x7FF] =	sst s3;
	s10 =	smul.u32 $0x13800, s11;
	s12 =	sadd.s32 $0x15C00, s4  }
0x7: {  	s28 =	sshll.u32 s11, $0x6;
	s15 =	sadd.s32 $0x138000, s2;
	p0 =	sne.s32 s11, $0x0  }
0x8: {  	s11 =	simm.s32 $0x6400;
	s6 =	sor.u32 s5, s6;
	s26 =	smul.u32 $0x138800, s5  }
0x9: {  	_ =	strace $0x80000047;
	s7 =	ssub.s32 $0x2, s5;
	s6 =	smul.u32 $0x4E2, s6  }
0xa: {  	s9 =	sshrl.u32 s7, $0x1;
	s24 =	sshrl.u32 s8, $0x2;
	s25 =	sshrl.u32 s10, $0x3  }
0xb: {  	s13 =	ssub.s32 s7, s9;
	s14 =	sadd.s32 s24, s2;
	s5 =	sadd.s32 s0, s25  }
0xc: {  	s29 =	sadd.s32 s10, s26;
	s8 =	sshrl.u32 s26, $0x3;
	s7 =	sadd.s32 $0x27000, s0  }
0xd: {  	s6 =	sadd.s32 s6, s4;
	s30 =	sshrl.u32 s29, $0x3;
	s31 =	sadd.s32 s12, s8  }
0xe: {  	s10 =	smax.u32 s13, $0x1;
	s13 =	simm.s32 $0x2;
	s4 =	sadd.s32 $0xBE00, s6  }
0xf: {  	s6 =	sor.u32 $0x1C02, s28;
	s8 =	sadd.s32 s12, s30;
	s9 =	sadd.s32 $0x27000, s31  }
0x10: {  	s12 =	sshrl.u32 s14, $0x3;
	s14 =	sshrl.u32 @!p0 s15, $0x3;
	s15 =	simm.s32 $0x1  }
.LBB2_1:
0x11: {  	[tilespmem:s11], [sflag:$0x1] =	stream.linear.gather [hbm4b:s4+s3], $0x2710, $0x38;
	[tilespmem:$0xB290] =	vst v63  }
0x12: {  	[spmem:s12], [sflag:s6] =	dma.local [hbm:s5], $0x2700  }
0x13: {  	_ =	swait.ge [sflag:s13], $0x2700  }
0x14: {  	[sflag:s13] =	ssyncset.done $0x0  }
0x15: {  	s18 =	simm.s32 @!p0 $0x2;
	[sflag:s13] =	ssyncadd.s32 $0xFFFFD900  }
0x16: {  	[spmem:s14], [sflag:s6] =	dma.local @!p0 [hbm:s7], $0x100  }
0x17: {  	_ =	swait.ge @!p0 [sflag:s18], $0x100  }
0x18: {  	[sflag:s18] =	ssyncset.done @!p0 $0x0  }
0x19: {  	[sflag:s18] =	ssyncadd.s32 @!p0 $0xFFFFFF00  }
0x1a: {  	[tilespmem:s3], [sflag:$0x2] =	stream.linear.gather [hbm4b:s0+s3], $0x6400, $0x38;
	[tilespmem:$0xB290] =	vst v63  }
0x1b: {  	_ =	swait.ge [sflag:s13], $0x6400  }
0x1c: {  	[sflag:s13] =	ssyncset.done $0x0  }
0x1d: {  	[sflag:s13] =	ssyncadd.s32 $0xFFFF9C00  }
0x1e: {  	_ =	swait.ge [sflag:s15], $0x2710  }
0x1f: {  	[sflag:s15] =	ssyncset.done $0x0  }
0x20: {  	[sflag:s15] =	ssyncadd.s32 $0xFFFFD8F0  }
0x21: {  	s31 =	simm.s32 $0x6400;
	[bflag:$0x0] =	sbarrier.arrive $0xFFFF  }
0x22: {  	[spmem:s2] =	stream.indirect.scatter.add.f32 [tilespmem:s3], [sflag:$0x2], $0x10, s31, s16, $0xb8;
	[tilespmem:$0xB290] =	vst v63  }
0x23: {  	s18 =	simm.s32 $0x320;
	_ =	swait.ge [sflag:s13], $0xC80  }
.LBB2_2:
0x24: {  	s19 =	sshra.s32 s18, $0x2;
	[sflag:s13] =	ssyncset.done $0x0;
	p1 =	sne.s32 s18, $0x9920  }
.Ltmp0:
0x25: {  	s19 =	sadd.s32 $0x6400, s19;
	[sflag:s13] =	ssyncadd.s32 $0xFFFFF380;
	(pc) =	sbr.rel @p1 .LBB2_2-.Ltmp0, $3  }
0x26: {  	[spmem:s2] =	stream.indirect.scatter.add.f32 [tilespmem:s3], [sflag:$0x2], $0x10, s19, s16, $0xb8;
	[tilespmem:$0xB290] =	vst v63  }
0x27: {  	s18 =	sadd.s32 $0x320, s18;
	_ =	sdelay $0x1  }
0x28: {  	_ =	swait.ge [sflag:s13], $0xC80  }
0x29: {  	[sflag:s13] =	ssyncset.done $0x0  }
0x2a: {  	[sflag:s13] =	ssyncadd.s32 $0xFFFFF380  }
0x2b: {  	[bflag:$0x0] =	sbarrier.arrive $0xFFFF  }
0x2c: {  	[hbm:s8], [sflag:s6] =	dma.local [spmem:s12], $0x2700  }
0x2d: {  	s17 =	sadd.s32 $0x1, s17;
	_ =	swait.ge [sflag:s13], $0x2700  }
0x2e: {  	p1 =	sne.s32 s17, s10;
	[sflag:s13] =	ssyncset.done $0x0  }
.Ltmp1:
0x2f: {  	s18 =	simm.s32 @!p0 $0x2;
	[sflag:s13] =	ssyncadd.s32 $0xFFFFD900;
	(pc) =	sbr.rel @p1 .LBB2_1-.Ltmp1, $4  }
0x30: {  	[hbm:s9], [sflag:s6] =	dma.local @!p0 [spmem:s14], $0x100  }
0x31: {  	_ =	swait.ge @!p0 [sflag:s18], $0x100  }
0x32: {  	[sflag:s18] =	ssyncset.done @!p0 $0x0  }
0x33: {  	[sflag:s18] =	ssyncadd.s32 @!p0 $0xFFFFFF00  }
0x34: {  	_ =	sfence.sel $0x180000  }
0x35: {  	[bflag:$0x0] =	sbarrier.arrive $0xFFFF  }
0x36: {  	_ =	strace $0x90000047  }
0x37: {  	s0 =	sadd.s32 @!p0 $0x100000, s1;
	[bflag:$0x2] =	sbarrier.arrive $0xFFFF  }
0x38: {  	[sflag:s0] =	ssyncadd.tile.s32 @!p0 $0x1;
	_ =	shalt  }
.Lfunc_end2:
_tile_overlayer_lowered:
.L_overlay_start_2:
0x39: {  	(tag) =	ssettag $0x2  }
0x3a: {  	s0 =	rddreg [dreg:$0x0];
	s2 =	stileid.u32  }
0x3b: {  	s1 =	rddreg [dreg:$0x1];
	p0 =	sne.s32 s2, $0x0  }
0x3c: {  	s3 =	rddreg [dreg:$0x2];
	[bflag:$0x3] =	sbarrier.arrive $0xFFFF;
	s2 =	simm.s32 @!p0 $0x1C02  }
0x3d: {  	[timem:s3], [sflag:s2] =	dma.local @!p0 [hbm:s0], s1  }
0x3e: {  	s0 =	simm.s32 @!p0 $0x2  }
0x3f: {  	_ =	swait.ge @!p0 [sflag:s0], s1  }
0x40: {  	s1 =	ssub.s32 @!p0 $0x0, s1;
	[sflag:s0] =	ssyncset.done @!p0 $0x0  }
0x41: {  	[sflag:s0] =	ssyncadd.s32 @!p0 s1  }
0x42: {  	[bflag:$0x3] =	sbarrier.arrive $0xFFFF  }
0x43: {  	_ =	shalt  }

</sc_bundles>
